<compile_context>
chip_gen: v7x
topology: tpu7x:2x2x1
jax: 0.10.2.dev20260603
libtpu: 0.0.44.dev20260713+nightly
codegen_flags: <defaults>
</compile_context>

<pallas_src>
import functools

import jax
import jax.numpy as jnp
from jax import lax
from jax.experimental import pallas as pl
from jax.experimental.pallas import tpu as pltpu
from jax.experimental.pallas import tpu_sc as plsc

N = 10000
D = 128
G = 64
CH = 128
NCORE = 2
NSUB = 16
NW = NCORE * NSUB
ACC_PER_TILE = 640
ACC_ROWS = NSUB * ACC_PER_TILE
DEG_W = 128
RB = 2000
NBLK = N // RB

_sc_mesh = plsc.VectorSubcoreMesh(core_axis_name="c", subcore_axis_name="s")


def _cdiv(a, b):
    return (a + b - 1) // b



@functools.lru_cache(maxsize=None)
def _make_deg_kernel(cpt):
    @functools.partial(
        pl.kernel,
        out_type=jax.ShapeDtypeStruct((NCORE, ACC_ROWS, DEG_W), jnp.float32),
        mesh=_sc_mesh,
        scratch_types=[
            pltpu.VMEM((cpt, CH), jnp.int32),
            pltpu.VMEM((CH, DEG_W), jnp.float32),
            pltpu.VMEM_SHARED((ACC_ROWS, DEG_W), jnp.float32),
            pltpu.SemaphoreType.DMA,
            pltpu.SemaphoreType.DMA,
        ],
    )
    def deg_kernel(dst_hbm, ones_hbm, zeros_hbm, out_hbm, dst_v, ones_v, acc_sh,
                   ssem_a, ssem_b):
        cid = lax.axis_index("c")
        sid = lax.axis_index("s")
        wid = cid * NSUB + sid
        row0 = sid * ACC_PER_TILE
        pltpu.sync_copy(zeros_hbm, acc_sh.at[pl.ds(row0, ACC_PER_TILE)])
        pltpu.sync_copy(ones_hbm, ones_v)
        pltpu.sync_copy(dst_hbm.at[wid], dst_v)
        plsc.subcore_barrier()

        def pair(p, carry):
            c = 2 * p
            pltpu.async_copy(ones_v, acc_sh.at[dst_v.at[c]], ssem_a, add=True)
            pltpu.async_copy(ones_v, acc_sh.at[dst_v.at[c + 1]], ssem_b, add=True)
            pltpu.make_async_copy(ones_v, acc_sh.at[dst_v.at[c]], ssem_a).wait()
            pltpu.make_async_copy(ones_v, acc_sh.at[dst_v.at[c + 1]], ssem_b).wait()
            return carry

        lax.fori_loop(0, cpt // 2, pair, 0)
        plsc.subcore_barrier()
        pltpu.sync_copy(acc_sh.at[pl.ds(row0, ACC_PER_TILE)],
                        out_hbm.at[cid, pl.ds(row0, ACC_PER_TILE)])

    return deg_kernel


@functools.lru_cache(maxsize=None)
def _make_scatter_kernel(cpt):
    @functools.partial(
        pl.kernel,
        out_type=jax.ShapeDtypeStruct((NCORE, ACC_ROWS, D), jnp.float32),
        mesh=_sc_mesh,
        scratch_types=[
            pltpu.VMEM((cpt, CH), jnp.int32),
            pltpu.VMEM((1, CH), jnp.int32),
            pltpu.VMEM((1, CH), jnp.int32),
            pltpu.VMEM((CH, D), jnp.float32),
            pltpu.VMEM((CH, D), jnp.float32),
            pltpu.VMEM_SHARED((ACC_ROWS, D), jnp.float32),
            pltpu.SemaphoreType.DMA,
            pltpu.SemaphoreType.DMA,
            pltpu.SemaphoreType.DMA,
            pltpu.SemaphoreType.DMA,
            pltpu.SemaphoreType.DMA,
            pltpu.SemaphoreType.DMA,
        ],
    )
    def scatter_kernel(h_hbm, src_hbm, dst_hbm, zeros_hbm, out_hbm,
                       src_v, didx_a, didx_b, rows_a, rows_b,
                       acc_sh, gsem_a, gsem_b, isem_a, isem_b, ssem_a, ssem_b):
        cid = lax.axis_index("c")
        sid = lax.axis_index("s")
        wid = cid * NSUB + sid
        row0 = sid * ACC_PER_TILE
        pltpu.sync_copy(zeros_hbm, acc_sh.at[pl.ds(row0, ACC_PER_TILE)])
        pltpu.sync_copy(src_hbm.at[wid], src_v)
        plsc.subcore_barrier()

        def pair(p, carry):
            c = 2 * p
            pltpu.async_copy(dst_hbm.at[wid, pl.ds(c, 1)], didx_a, isem_a)
            pltpu.async_copy(dst_hbm.at[wid, pl.ds(c + 1, 1)], didx_b, isem_b)
            pltpu.async_copy(h_hbm.at[src_v.at[c]], rows_a, gsem_a)
            pltpu.async_copy(h_hbm.at[src_v.at[c + 1]], rows_b, gsem_b)
            pltpu.make_async_copy(h_hbm.at[src_v.at[c]], rows_a, gsem_a).wait()
            pltpu.make_async_copy(h_hbm.at[src_v.at[c + 1]], rows_b, gsem_b).wait()
            pltpu.make_async_copy(dst_hbm.at[0, pl.ds(0, 1)], didx_a, isem_a).wait()
            pltpu.make_async_copy(dst_hbm.at[0, pl.ds(0, 1)], didx_b, isem_b).wait()
            pltpu.async_copy(rows_a, acc_sh.at[didx_a.at[0]], ssem_a, add=True)
            pltpu.async_copy(rows_b, acc_sh.at[didx_b.at[0]], ssem_b, add=True)
            pltpu.make_async_copy(rows_a, acc_sh.at[didx_a.at[0]], ssem_a).wait()
            pltpu.make_async_copy(rows_b, acc_sh.at[didx_b.at[0]], ssem_b).wait()
            return carry

        lax.fori_loop(0, cpt // 2, pair, 0)
        plsc.subcore_barrier()
        pltpu.sync_copy(acc_sh.at[pl.ds(row0, ACC_PER_TILE)],
                        out_hbm.at[cid, pl.ds(row0, ACC_PER_TILE)])

    return scatter_kernel



def _dinv_block(deg_ref):
    d = deg_ref[0] + deg_ref[1]
    return lax.rsqrt(d[:, 0:1] + 1.0)


def _tc_lin1(x, W1, deg):
    def body(x_ref, w_ref, deg_ref, out_ref):
        dinv = _dinv_block(deg_ref)
        h = jnp.dot(x_ref[...], w_ref[...], preferred_element_type=jnp.float32)
        out_ref[...] = h * dinv

    return pl.pallas_call(
        body,
        grid=(NBLK,),
        in_specs=[
            pl.BlockSpec((RB, D), lambda i: (i, 0)),
            pl.BlockSpec((D, D), lambda i: (0, 0)),
            pl.BlockSpec((NCORE, RB, DEG_W), lambda i: (0, i, 0)),
        ],
        out_specs=pl.BlockSpec((RB, D), lambda i: (i, 0)),
        out_shape=jax.ShapeDtypeStruct((N, D), jnp.float32),
    )(x, W1, deg)


def _tc_layer(acc, hprev, deg, b, W):
    def body(acc_ref, h_ref, deg_ref, b_ref, w_ref, out_ref):
        dinv = _dinv_block(deg_ref)
        agg = dinv * (acc_ref[0] + acc_ref[1] + h_ref[...]) + b_ref[...]
        h = jnp.maximum(agg, 0.0)
        out_ref[...] = dinv * jnp.dot(h, w_ref[...],
                                      preferred_element_type=jnp.float32)

    return pl.pallas_call(
        body,
        grid=(NBLK,),
        in_specs=[
            pl.BlockSpec((NCORE, RB, D), lambda i: (0, i, 0)),
            pl.BlockSpec((RB, D), lambda i: (i, 0)),
            pl.BlockSpec((NCORE, RB, DEG_W), lambda i: (0, i, 0)),
            pl.BlockSpec((1, D), lambda i: (0, 0)),
            pl.BlockSpec((D, D), lambda i: (0, 0)),
        ],
        out_specs=pl.BlockSpec((RB, D), lambda i: (i, 0)),
        out_shape=jax.ShapeDtypeStruct((N, D), jnp.float32),
    )(acc, hprev, deg, b, W)


def _tc_final(acc, h3, deg, b3, batch3, Wl, bl):
    def body(acc_ref, h_ref, deg_ref, b_ref, batch_ref, wl_ref, bl_ref,
             out_ref, psum, pcnt):
        i = pl.program_id(0)

        @pl.when(i == 0)
        def _():
            psum[...] = jnp.zeros_like(psum)
            pcnt[...] = jnp.zeros_like(pcnt)

        dinv = _dinv_block(deg_ref)
        agg = dinv * (acc_ref[0] + acc_ref[1] + h_ref[...]) + b_ref[...]
        bb = batch_ref[0]
        iota = lax.broadcasted_iota(jnp.int32, (G, RB), 0)
        maskT = (iota == bb).astype(jnp.float32)
        psum[...] += jnp.dot(maskT, agg, preferred_element_type=jnp.float32)
        pcnt[...] += jnp.dot(maskT, jnp.ones((RB, D), jnp.float32),
                             preferred_element_type=jnp.float32)

        @pl.when(i == NBLK - 1)
        def _():
            pooled = psum[...] / jnp.maximum(pcnt[...], 1.0)
            out_ref[...] = jnp.dot(pooled, wl_ref[...],
                                   preferred_element_type=jnp.float32) + bl_ref[...]

    return pl.pallas_call(
        body,
        grid=(NBLK,),
        in_specs=[
            pl.BlockSpec((NCORE, RB, D), lambda i: (0, i, 0)),
            pl.BlockSpec((RB, D), lambda i: (i, 0)),
            pl.BlockSpec((NCORE, RB, DEG_W), lambda i: (0, i, 0)),
            pl.BlockSpec((1, D), lambda i: (0, 0)),
            pl.BlockSpec((1, 1, RB), lambda i: (i, 0, 0)),
            pl.BlockSpec((D, D), lambda i: (0, 0)),
            pl.BlockSpec((1, D), lambda i: (0, 0)),
        ],
        out_specs=pl.BlockSpec((G, D), lambda i: (0, 0)),
        out_shape=jax.ShapeDtypeStruct((G, D), jnp.float32),
        scratch_shapes=[
            pltpu.VMEM((G, D), jnp.float32),
            pltpu.VMEM((G, D), jnp.float32),
        ],
    )(acc, h3, deg, b3, batch3, Wl, bl)



def kernel(x, edge_index, batch, W1, b1, W2, b2, W3, b3, Wlin, blin):
    src = edge_index[0].astype(jnp.int32)
    dst = edge_index[1].astype(jnp.int32)
    e = src.shape[0]
    cpt = _cdiv(e, NW * CH)
    cpt += cpt % 2
    epad = NW * CH * cpt
    pad_i = jnp.arange(epad - e, dtype=jnp.int32)
    src3 = jnp.concatenate([src, pad_i % N]).reshape(NW, cpt, CH)
    dst3 = jnp.concatenate(
        [dst, N + pad_i % (ACC_ROWS - N)]).reshape(NW, cpt, CH)

    ones_deg = jnp.ones((CH, DEG_W), jnp.float32)
    zeros_deg = jnp.zeros((ACC_PER_TILE, DEG_W), jnp.float32)
    zeros_acc = jnp.zeros((ACC_PER_TILE, D), jnp.float32)

    deg = _make_deg_kernel(cpt)(dst3, ones_deg, zeros_deg)

    scatter = _make_scatter_kernel(cpt)
    h1 = _tc_lin1(x, W1, deg)
    a1 = scatter(h1, src3, dst3, zeros_acc)
    h2 = _tc_layer(a1, h1, deg, b1.reshape(1, D), W2)
    a2 = scatter(h2, src3, dst3, zeros_acc)
    h3 = _tc_layer(a2, h2, deg, b2.reshape(1, D), W3)
    a3 = scatter(h3, src3, dst3, zeros_acc)

    batch3 = batch.astype(jnp.int32).reshape(NBLK, 1, RB)
    Wl = jnp.zeros((D, D), jnp.float32).at[:, :Wlin.shape[1]].set(Wlin)
    bl = jnp.zeros((1, D), jnp.float32).at[0, :blin.shape[0]].set(blin)
    out = _tc_final(a3, h3, deg, b3.reshape(1, D), batch3, Wl, bl)
    return out[:, :Wlin.shape[1]]

# --- scband reference (transcript-rebuilt; emitter-appended) ---
"""Pipeline reference for scband-gcn-48369921688195 (READ-ONLY COPY).

The authoritative reference and input builder live on the scoring server;
editing this copy changes nothing except your own understanding.
"""

import jax, jax.numpy as jnp
import numpy as np

N_NODES = 10000
N_EDGES = 320000
D_FEAT = 128
HIDDEN = 128
N_GRAPHS = 64
CONFIG = {'GNN_HIDDEN_LAYERS': 3, 'GNN_DROPOUT': 0.1}


def setup_inputs(seed: int = 0) -> dict:
    key = jax.random.key(seed)
    ks = jax.random.split(key, 12)
    x = jax.random.normal(ks[0], (N_NODES, D_FEAT), dtype=jnp.float32)
    edge_index = jax.random.randint(ks[1], (2, N_EDGES), 0, N_NODES, dtype=jnp.int64)
    batch = jnp.sort(jax.random.randint(ks[2], (N_NODES,), 0, N_GRAPHS, dtype=jnp.int64))
    s1 = 1.0 / np.sqrt(D_FEAT)
    s2 = 1.0 / np.sqrt(HIDDEN)
    W1 = jax.random.normal(ks[3], (D_FEAT, HIDDEN), dtype=jnp.float32) * s1
    b1 = jnp.zeros((HIDDEN,), dtype=jnp.float32)
    W2 = jax.random.normal(ks[4], (HIDDEN, HIDDEN), dtype=jnp.float32) * s2
    b2 = jnp.zeros((HIDDEN,), dtype=jnp.float32)
    W3 = jax.random.normal(ks[5], (HIDDEN, HIDDEN), dtype=jnp.float32) * s2
    b3 = jnp.zeros((HIDDEN,), dtype=jnp.float32)
    Wlin = jax.random.normal(ks[6], (HIDDEN, 2), dtype=jnp.float32) * s2
    blin = jnp.zeros((2,), dtype=jnp.float32)
    return {'x': x, 'edge_index': edge_index, 'batch': batch,
            'W1': W1, 'b1': b1, 'W2': W2, 'b2': b2, 'W3': W3, 'b3': b3,
            'Wlin': Wlin, 'blin': blin}


def _gcn_conv(x, W, b, edge_index, n):
    # GCNConv with added self-loops and symmetric normalization
    loop = jnp.arange(n, dtype=edge_index.dtype)
    src = jnp.concatenate([edge_index[0], loop])
    dst = jnp.concatenate([edge_index[1], loop])
    deg = jnp.zeros((n,), dtype=x.dtype).at[dst].add(1.0)
    dinv = jax.lax.rsqrt(jnp.maximum(deg, 1.0))
    h = x @ W
    norm = (dinv[src] * dinv[dst])[:, None]
    msg = jnp.take(h, src, axis=0) * norm
    out = jnp.zeros((n, W.shape[1]), dtype=x.dtype).at[dst].add(msg)
    return out + b


def reference(x, edge_index, batch, W1, b1, W2, b2, W3, b3, Wlin, blin):
    n = x.shape[0]
    h = _gcn_conv(x, W1, b1, edge_index, n)
    if CONFIG['GNN_HIDDEN_LAYERS'] > 1:
        h = jax.nn.relu(h)
        h = _gcn_conv(h, W2, b2, edge_index, n)
    if CONFIG['GNN_HIDDEN_LAYERS'] > 2:
        h = jax.nn.relu(h)
        h = _gcn_conv(h, W3, b3, edge_index, n)
    # global_mean_pool over batch assignment
    sums = jax.ops.segment_sum(h, batch, num_segments=N_GRAPHS)
    counts = jax.ops.segment_sum(jnp.ones((n,), dtype=h.dtype), batch, num_segments=N_GRAPHS)
    pooled = sums / jnp.maximum(counts, 1.0)[:, None]
    # dropout is identity in eval mode
    return pooled @ Wlin + blin

if __name__ == "__main__":
    import jax
    _d = setup_inputs()
    print(jax.jit(kernel)(*tuple(_d.values())))

</pallas_src>

<mosaic_0001>
#map = affine_map<(d0, d1) -> (0, 0)>
#map1 = affine_map<(d0, d1) -> (0, 0, 0)>
module attributes {stable_mosaic.version = 14 : i64} {
  func.func @scatter_kernel(%arg0: i32, %arg1: i32, %arg2: memref<10000x128xf32, #tpu.memory_space<hbm>>, %arg3: memref<32x80x128xi32, #tpu.memory_space<hbm>>, %arg4: memref<32x80x128xi32, #tpu.memory_space<hbm>>, %arg5: memref<640x128xf32, #tpu.memory_space<hbm>>, %arg6: memref<2x10240x128xf32, #tpu.memory_space<hbm>>, %arg7: memref<80x128xi32, #tpu.memory_space<vmem>>, %arg8: memref<1x128xi32, #tpu.memory_space<vmem>>, %arg9: memref<1x128xi32, #tpu.memory_space<vmem>>, %arg10: memref<128x128xf32, #tpu.memory_space<vmem>>, %arg11: memref<128x128xf32, #tpu.memory_space<vmem>>, %arg12: memref<10240x128xf32, #tpu.memory_space<vmem_shared>>, %arg13: memref<!tpu.dma_semaphore, #tpu.memory_space<semaphore_mem>>, %arg14: memref<!tpu.dma_semaphore, #tpu.memory_space<semaphore_mem>>, %arg15: memref<!tpu.dma_semaphore, #tpu.memory_space<semaphore_mem>>, %arg16: memref<!tpu.dma_semaphore, #tpu.memory_space<semaphore_mem>>, %arg17: memref<!tpu.dma_semaphore, #tpu.memory_space<semaphore_mem>>, %arg18: memref<!tpu.dma_semaphore, #tpu.memory_space<semaphore_mem>>) attributes {dimension_semantics = [#tpu.dimension_semantics<core_parallel>, #tpu.dimension_semantics<subcore_parallel>], iteration_bounds = array<i64: 2, 16>, scalar_prefetch = 0 : i64, scratch_operands = 12 : i64, tpu.core_type = #tpu.core_type<sc_vector_subcore>, window_params = [{transform_indices = #map}, {transform_indices = #map1}, {transform_indices = #map1}, {transform_indices = #map}, {transform_indices = #map1}]} {
    %mul3A = arith.constant 16 : i32
    %mul3A_0 = arith.muli %arg0, %mul3A : i32
    %add3A = arith.addi %mul3A_0, %arg1 : i32
    %mul3A_1 = arith.constant 640 : i32
    %mul3A_2 = arith.muli %arg1, %mul3A_1 : i32
    "tpu.region"() ({
      %run_scoped3A = tpu.sem_alloc : memref<!tpu.dma_semaphore, #tpu.memory_space<semaphore_mem>>
      %dma_start3A = arith.constant 0 : i32
      %dma_start3A_9 = tpu.memref_slice %arg12[%mul3A_2, %dma_start3A] : memref<10240x128xf32, #tpu.memory_space<vmem_shared>> -> memref<640x128xf32, #tpu.memory_space<vmem_shared>>
      tpu.enqueue_dma source(%arg5 : memref<640x128xf32, #tpu.memory_space<hbm>>) target(%dma_start3A_9 : memref<640x128xf32, #tpu.memory_space<vmem_shared>>) target_semaphore(%run_scoped3A : memref<!tpu.dma_semaphore, #tpu.memory_space<semaphore_mem>>)
      %dma_wait3A = arith.constant 0 : i32
      %dma_wait3A_10 = tpu.memref_slice %arg12[%mul3A_2, %dma_wait3A] : memref<10240x128xf32, #tpu.memory_space<vmem_shared>> -> memref<640x128xf32, #tpu.memory_space<vmem_shared>>
      tpu.wait_dma2 semaphore(%run_scoped3A : memref<!tpu.dma_semaphore, #tpu.memory_space<semaphore_mem>>) src(%arg5 : memref<640x128xf32, #tpu.memory_space<hbm>>) dst(%dma_wait3A_10 : memref<640x128xf32, #tpu.memory_space<vmem_shared>>)
      tpu.yield
    }) : () -> ()
    "tpu.region"() ({
      %run_scoped3A = tpu.sem_alloc : memref<!tpu.dma_semaphore, #tpu.memory_space<semaphore_mem>>
      %dma_start3A = arith.constant 0 : i32
      %dma_start3A_9 = arith.constant 0 : i32
      %dma_start3A_10 = tpu.memref_slice %arg3[%add3A, %dma_start3A, %dma_start3A_9] : memref<32x80x128xi32, #tpu.memory_space<hbm>> -> memref<1x80x128xi32, #tpu.memory_space<hbm>>
      %dma_start3A_11 = tpu.memref_squeeze %dma_start3A_10 : memref<1x80x128xi32, #tpu.memory_space<hbm>> -> memref<80x128xi32, #tpu.memory_space<hbm>>
      %dma_start3A_12 = arith.constant 0 : i32
      %dma_start3A_13 = arith.constant 0 : i32
      %dma_start3A_14 = tpu.memref_slice %arg3[%add3A, %dma_start3A_12, %dma_start3A_13] : memref<32x80x128xi32, #tpu.memory_space<hbm>> -> memref<1x80x128xi32, #tpu.memory_space<hbm>>
      %dma_start3A_15 = tpu.memref_squeeze %dma_start3A_14 : memref<1x80x128xi32, #tpu.memory_space<hbm>> -> memref<80x128xi32, #tpu.memory_space<hbm>>
      tpu.enqueue_dma source(%dma_start3A_15 : memref<80x128xi32, #tpu.memory_space<hbm>>) target(%arg7 : memref<80x128xi32, #tpu.memory_space<vmem>>) target_semaphore(%run_scoped3A : memref<!tpu.dma_semaphore, #tpu.memory_space<semaphore_mem>>)
      %dma_wait3A = arith.constant 0 : i32
      %dma_wait3A_16 = arith.constant 0 : i32
      %dma_wait3A_17 = tpu.memref_slice %arg3[%add3A, %dma_wait3A, %dma_wait3A_16] : memref<32x80x128xi32, #tpu.memory_space<hbm>> -> memref<1x80x128xi32, #tpu.memory_space<hbm>>
      %dma_wait3A_18 = tpu.memref_squeeze %dma_wait3A_17 : memref<1x80x128xi32, #tpu.memory_space<hbm>> -> memref<80x128xi32, #tpu.memory_space<hbm>>
      %dma_wait3A_19 = arith.constant 0 : i32
      %dma_wait3A_20 = arith.constant 0 : i32
      %dma_wait3A_21 = tpu.memref_slice %arg3[%add3A, %dma_wait3A_19, %dma_wait3A_20] : memref<32x80x128xi32, #tpu.memory_space<hbm>> -> memref<1x80x128xi32, #tpu.memory_space<hbm>>
      %dma_wait3A_22 = tpu.memref_squeeze %dma_wait3A_21 : memref<1x80x128xi32, #tpu.memory_space<hbm>> -> memref<80x128xi32, #tpu.memory_space<hbm>>
      tpu.wait_dma2 semaphore(%run_scoped3A : memref<!tpu.dma_semaphore, #tpu.memory_space<semaphore_mem>>) src(%dma_wait3A_22 : memref<80x128xi32, #tpu.memory_space<hbm>>) dst(%arg7 : memref<80x128xi32, #tpu.memory_space<vmem>>)
      tpu.yield
    }) : () -> ()
    %barrier3A = arith.constant 0 : index
    tpu.barrier barrier_id(%barrier3A)
    %scan3A = arith.constant 0 : i32
    %scan3A_3 = arith.constant 0 : i32
    %scan3A_4 = arith.constant 40 : i32
    %scan3A_5 = arith.addi %scan3A_3, %scan3A_4 : i32
    %scan3A_6 = arith.constant 1 : i32
    scf.for %scan3A_9 = %scan3A_3 to %scan3A_5 step %scan3A_6  : i32 {
      %mul3A_10 = arith.constant 2 : i32
      %mul3A_11 = arith.muli %mul3A_10, %scan3A_9 : i32
      %dma_start3A = arith.constant 0 : i32
      %dma_start3A_12 = tpu.memref_slice %arg4[%add3A, %mul3A_11, %dma_start3A] : memref<32x80x128xi32, #tpu.memory_space<hbm>> -> memref<1x1x128xi32, #tpu.memory_space<hbm>>
      %dma_start3A_13 = tpu.memref_squeeze %dma_start3A_12 : memref<1x1x128xi32, #tpu.memory_space<hbm>> -> memref<1x128xi32, #tpu.memory_space<hbm>>
      %dma_start3A_14 = arith.constant 0 : i32
      %dma_start3A_15 = tpu.memref_slice %arg4[%add3A, %mul3A_11, %dma_start3A_14] : memref<32x80x128xi32, #tpu.memory_space<hbm>> -> memref<1x1x128xi32, #tpu.memory_space<hbm>>
      %dma_start3A_16 = tpu.memref_squeeze %dma_start3A_15 : memref<1x1x128xi32, #tpu.memory_space<hbm>> -> memref<1x128xi32, #tpu.memory_space<hbm>>
      tpu.enqueue_dma source(%dma_start3A_16 : memref<1x128xi32, #tpu.memory_space<hbm>>) target(%arg8 : memref<1x128xi32, #tpu.memory_space<vmem>>) target_semaphore(%arg15 : memref<!tpu.dma_semaphore, #tpu.memory_space<semaphore_mem>>)
      %add3A_17 = arith.constant 1 : i32
      %add3A_18 = arith.addi %mul3A_11, %add3A_17 : i32
      %dma_start3A_19 = arith.constant 0 : i32
      %dma_start3A_20 = tpu.memref_slice %arg4[%add3A, %add3A_18, %dma_start3A_19] : memref<32x80x128xi32, #tpu.memory_space<hbm>> -> memref<1x1x128xi32, #tpu.memory_space<hbm>>
      %dma_start3A_21 = tpu.memref_squeeze %dma_start3A_20 : memref<1x1x128xi32, #tpu.memory_space<hbm>> -> memref<1x128xi32, #tpu.memory_space<hbm>>
      %dma_start3A_22 = arith.constant 0 : i32
      %dma_start3A_23 = tpu.memref_slice %arg4[%add3A, %add3A_18, %dma_start3A_22] : memref<32x80x128xi32, #tpu.memory_space<hbm>> -> memref<1x1x128xi32, #tpu.memory_space<hbm>>
      %dma_start3A_24 = tpu.memref_squeeze %dma_start3A_23 : memref<1x1x128xi32, #tpu.memory_space<hbm>> -> memref<1x128xi32, #tpu.memory_space<hbm>>
      tpu.enqueue_dma source(%dma_start3A_24 : memref<1x128xi32, #tpu.memory_space<hbm>>) target(%arg9 : memref<1x128xi32, #tpu.memory_space<vmem>>) target_semaphore(%arg16 : memref<!tpu.dma_semaphore, #tpu.memory_space<semaphore_mem>>)
      %dma_start3A_25 = arith.constant 0 : i32
      %dma_start3A_26 = tpu.memref_slice %arg7[%mul3A_11, %dma_start3A_25] : memref<80x128xi32, #tpu.memory_space<vmem>> -> memref<1x128xi32, #tpu.memory_space<vmem>>
      %dma_start3A_27 = tpu.memref_squeeze %dma_start3A_26 : memref<1x128xi32, #tpu.memory_space<vmem>> -> memref<128xi32, #tpu.memory_space<vmem>>
      %dma_start3A_28 = arith.constant 0 : i32
      %dma_start3A_29 = arith.constant 0 : i32
      %dma_start3A_30 = tpu.memref_slice %arg2[%dma_start3A_28, %dma_start3A_29] : memref<10000x128xf32, #tpu.memory_space<hbm>> -> memref<10000x128xf32, #tpu.memory_space<hbm>>
      tpu.enqueue_indirect_dma source(%dma_start3A_30 : memref<10000x128xf32, #tpu.memory_space<hbm>>) target(%arg10 : memref<128x128xf32, #tpu.memory_space<vmem>>) offsets(%dma_start3A_27 : memref<128xi32, #tpu.memory_space<vmem>>) semaphore(%arg13 : memref<!tpu.dma_semaphore, #tpu.memory_space<semaphore_mem>>)
      %add3A_31 = arith.constant 1 : i32
      %add3A_32 = arith.addi %mul3A_11, %add3A_31 : i32
      %dma_start3A_33 = arith.constant 0 : i32
      %dma_start3A_34 = tpu.memref_slice %arg7[%add3A_32, %dma_start3A_33] : memref<80x128xi32, #tpu.memory_space<vmem>> -> memref<1x128xi32, #tpu.memory_space<vmem>>
      %dma_start3A_35 = tpu.memref_squeeze %dma_start3A_34 : memref<1x128xi32, #tpu.memory_space<vmem>> -> memref<128xi32, #tpu.memory_space<vmem>>
      %dma_start3A_36 = arith.constant 0 : i32
      %dma_start3A_37 = arith.constant 0 : i32
      %dma_start3A_38 = tpu.memref_slice %arg2[%dma_start3A_36, %dma_start3A_37] : memref<10000x128xf32, #tpu.memory_space<hbm>> -> memref<10000x128xf32, #tpu.memory_space<hbm>>
      tpu.enqueue_indirect_dma source(%dma_start3A_38 : memref<10000x128xf32, #tpu.memory_space<hbm>>) target(%arg11 : memref<128x128xf32, #tpu.memory_space<vmem>>) offsets(%dma_start3A_35 : memref<128xi32, #tpu.memory_space<vmem>>) semaphore(%arg14 : memref<!tpu.dma_semaphore, #tpu.memory_space<semaphore_mem>>)
      %dma_wait3A = arith.constant 0 : i32
      %dma_wait3A_39 = tpu.memref_slice %arg7[%mul3A_11, %dma_wait3A] : memref<80x128xi32, #tpu.memory_space<vmem>> -> memref<1x128xi32, #tpu.memory_space<vmem>>
      %dma_wait3A_40 = tpu.memref_squeeze %dma_wait3A_39 : memref<1x128xi32, #tpu.memory_space<vmem>> -> memref<128xi32, #tpu.memory_space<vmem>>
      %dma_wait3A_41 = arith.constant 0 : i32
      %dma_wait3A_42 = arith.constant 0 : i32
      %dma_wait3A_43 = tpu.memref_slice %arg2[%dma_wait3A_41, %dma_wait3A_42] : memref<10000x128xf32, #tpu.memory_space<hbm>> -> memref<10000x128xf32, #tpu.memory_space<hbm>>
      tpu.wait_indirect_dma semaphore(%arg13 : memref<!tpu.dma_semaphore, #tpu.memory_space<semaphore_mem>>) src(%dma_wait3A_43 : memref<10000x128xf32, #tpu.memory_space<hbm>>) dst(%arg10 : memref<128x128xf32, #tpu.memory_space<vmem>>)
      %add3A_44 = arith.constant 1 : i32
      %add3A_45 = arith.addi %mul3A_11, %add3A_44 : i32
      %dma_wait3A_46 = arith.constant 0 : i32
      %dma_wait3A_47 = tpu.memref_slice %arg7[%add3A_45, %dma_wait3A_46] : memref<80x128xi32, #tpu.memory_space<vmem>> -> memref<1x128xi32, #tpu.memory_space<vmem>>
      %dma_wait3A_48 = tpu.memref_squeeze %dma_wait3A_47 : memref<1x128xi32, #tpu.memory_space<vmem>> -> memref<128xi32, #tpu.memory_space<vmem>>
      %dma_wait3A_49 = arith.constant 0 : i32
      %dma_wait3A_50 = arith.constant 0 : i32
      %dma_wait3A_51 = tpu.memref_slice %arg2[%dma_wait3A_49, %dma_wait3A_50] : memref<10000x128xf32, #tpu.memory_space<hbm>> -> memref<10000x128xf32, #tpu.memory_space<hbm>>
      tpu.wait_indirect_dma semaphore(%arg14 : memref<!tpu.dma_semaphore, #tpu.memory_space<semaphore_mem>>) src(%dma_wait3A_51 : memref<10000x128xf32, #tpu.memory_space<hbm>>) dst(%arg11 : memref<128x128xf32, #tpu.memory_space<vmem>>)
      %dma_wait3A_52 = arith.constant 0 : i32
      %dma_wait3A_53 = arith.constant 0 : i32
      %dma_wait3A_54 = arith.constant 0 : i32
      %dma_wait3A_55 = tpu.memref_slice %arg4[%dma_wait3A_52, %dma_wait3A_53, %dma_wait3A_54] : memref<32x80x128xi32, #tpu.memory_space<hbm>> -> memref<1x1x128xi32, #tpu.memory_space<hbm>>
      %dma_wait3A_56 = tpu.memref_squeeze %dma_wait3A_55 : memref<1x1x128xi32, #tpu.memory_space<hbm>> -> memref<1x128xi32, #tpu.memory_space<hbm>>
      %dma_wait3A_57 = arith.constant 0 : i32
      %dma_wait3A_58 = arith.constant 0 : i32
      %dma_wait3A_59 = tpu.memref_slice %arg4[%dma_wait3A_52, %dma_wait3A_57, %dma_wait3A_58] : memref<32x80x128xi32, #tpu.memory_space<hbm>> -> memref<1x1x128xi32, #tpu.memory_space<hbm>>
      %dma_wait3A_60 = tpu.memref_squeeze %dma_wait3A_59 : memref<1x1x128xi32, #tpu.memory_space<hbm>> -> memref<1x128xi32, #tpu.memory_space<hbm>>
      tpu.wait_dma2 semaphore(%arg15 : memref<!tpu.dma_semaphore, #tpu.memory_space<semaphore_mem>>) src(%dma_wait3A_60 : memref<1x128xi32, #tpu.memory_space<hbm>>) dst(%arg8 : memref<1x128xi32, #tpu.memory_space<vmem>>)
      %dma_wait3A_61 = arith.constant 0 : i32
      %dma_wait3A_62 = arith.constant 0 : i32
      %dma_wait3A_63 = arith.constant 0 : i32
      %dma_wait3A_64 = tpu.memref_slice %arg4[%dma_wait3A_61, %dma_wait3A_62, %dma_wait3A_63] : memref<32x80x128xi32, #tpu.memory_space<hbm>> -> memref<1x1x128xi32, #tpu.memory_space<hbm>>
      %dma_wait3A_65 = tpu.memref_squeeze %dma_wait3A_64 : memref<1x1x128xi32, #tpu.memory_space<hbm>> -> memref<1x128xi32, #tpu.memory_space<hbm>>
      %dma_wait3A_66 = arith.constant 0 : i32
      %dma_wait3A_67 = arith.constant 0 : i32
      %dma_wait3A_68 = tpu.memref_slice %arg4[%dma_wait3A_61, %dma_wait3A_66, %dma_wait3A_67] : memref<32x80x128xi32, #tpu.memory_space<hbm>> -> memref<1x1x128xi32, #tpu.memory_space<hbm>>
      %dma_wait3A_69 = tpu.memref_squeeze %dma_wait3A_68 : memref<1x1x128xi32, #tpu.memory_space<hbm>> -> memref<1x128xi32, #tpu.memory_space<hbm>>
      tpu.wait_dma2 semaphore(%arg16 : memref<!tpu.dma_semaphore, #tpu.memory_space<semaphore_mem>>) src(%dma_wait3A_69 : memref<1x128xi32, #tpu.memory_space<hbm>>) dst(%arg9 : memref<1x128xi32, #tpu.memory_space<vmem>>)
      %dma_start3A_70 = arith.constant 0 : i32
      %dma_start3A_71 = arith.constant 0 : i32
      %dma_start3A_72 = tpu.memref_slice %arg8[%dma_start3A_70, %dma_start3A_71] : memref<1x128xi32, #tpu.memory_space<vmem>> -> memref<1x128xi32, #tpu.memory_space<vmem>>
      %dma_start3A_73 = tpu.memref_squeeze %dma_start3A_72 : memref<1x128xi32, #tpu.memory_space<vmem>> -> memref<128xi32, #tpu.memory_space<vmem>>
      %dma_start3A_74 = arith.constant 0 : i32
      %dma_start3A_75 = arith.constant 0 : i32
      %dma_start3A_76 = tpu.memref_slice %arg12[%dma_start3A_74, %dma_start3A_75] : memref<10240x128xf32, #tpu.memory_space<vmem_shared>> -> memref<10240x128xf32, #tpu.memory_space<vmem_shared>>
      tpu.enqueue_indirect_dma source(%arg10 : memref<128x128xf32, #tpu.memory_space<vmem>>) target(%dma_start3A_76 : memref<10240x128xf32, #tpu.memory_space<vmem_shared>>) offsets(%dma_start3A_73 : memref<128xi32, #tpu.memory_space<vmem>>) semaphore(%arg17 : memref<!tpu.dma_semaphore, #tpu.memory_space<semaphore_mem>>) {add = true}
      %dma_start3A_77 = arith.constant 0 : i32
      %dma_start3A_78 = arith.constant 0 : i32
      %dma_start3A_79 = tpu.memref_slice %arg9[%dma_start3A_77, %dma_start3A_78] : memref<1x128xi32, #tpu.memory_space<vmem>> -> memref<1x128xi32, #tpu.memory_space<vmem>>
      %dma_start3A_80 = tpu.memref_squeeze %dma_start3A_79 : memref<1x128xi32, #tpu.memory_space<vmem>> -> memref<128xi32, #tpu.memory_space<vmem>>
      %dma_start3A_81 = arith.constant 0 : i32
      %dma_start3A_82 = arith.constant 0 : i32
      %dma_start3A_83 = tpu.memref_slice %arg12[%dma_start3A_81, %dma_start3A_82] : memref<10240x128xf32, #tpu.memory_space<vmem_shared>> -> memref<10240x128xf32, #tpu.memory_space<vmem_shared>>
      tpu.enqueue_indirect_dma source(%arg11 : memref<128x128xf32, #tpu.memory_space<vmem>>) target(%dma_start3A_83 : memref<10240x128xf32, #tpu.memory_space<vmem_shared>>) offsets(%dma_start3A_80 : memref<128xi32, #tpu.memory_space<vmem>>) semaphore(%arg18 : memref<!tpu.dma_semaphore, #tpu.memory_space<semaphore_mem>>) {add = true}
      %dma_wait3A_84 = arith.constant 0 : i32
      %dma_wait3A_85 = arith.constant 0 : i32
      %dma_wait3A_86 = tpu.memref_slice %arg8[%dma_wait3A_84, %dma_wait3A_85] : memref<1x128xi32, #tpu.memory_space<vmem>> -> memref<1x128xi32, #tpu.memory_space<vmem>>
      %dma_wait3A_87 = tpu.memref_squeeze %dma_wait3A_86 : memref<1x128xi32, #tpu.memory_space<vmem>> -> memref<128xi32, #tpu.memory_space<vmem>>
      %dma_wait3A_88 = arith.constant 0 : i32
      %dma_wait3A_89 = arith.constant 0 : i32
      %dma_wait3A_90 = tpu.memref_slice %arg12[%dma_wait3A_88, %dma_wait3A_89] : memref<10240x128xf32, #tpu.memory_space<vmem_shared>> -> memref<10240x128xf32, #tpu.memory_space<vmem_shared>>
      tpu.wait_indirect_dma semaphore(%arg17 : memref<!tpu.dma_semaphore, #tpu.memory_space<semaphore_mem>>) src(%arg10 : memref<128x128xf32, #tpu.memory_space<vmem>>) dst(%dma_wait3A_90 : memref<10240x128xf32, #tpu.memory_space<vmem_shared>>)
      %dma_wait3A_91 = arith.constant 0 : i32
      %dma_wait3A_92 = arith.constant 0 : i32
      %dma_wait3A_93 = tpu.memref_slice %arg9[%dma_wait3A_91, %dma_wait3A_92] : memref<1x128xi32, #tpu.memory_space<vmem>> -> memref<1x128xi32, #tpu.memory_space<vmem>>
      %dma_wait3A_94 = tpu.memref_squeeze %dma_wait3A_93 : memref<1x128xi32, #tpu.memory_space<vmem>> -> memref<128xi32, #tpu.memory_space<vmem>>
      %dma_wait3A_95 = arith.constant 0 : i32
      %dma_wait3A_96 = arith.constant 0 : i32
      %dma_wait3A_97 = tpu.memref_slice %arg12[%dma_wait3A_95, %dma_wait3A_96] : memref<10240x128xf32, #tpu.memory_space<vmem_shared>> -> memref<10240x128xf32, #tpu.memory_space<vmem_shared>>
      tpu.wait_indirect_dma semaphore(%arg18 : memref<!tpu.dma_semaphore, #tpu.memory_space<semaphore_mem>>) src(%arg11 : memref<128x128xf32, #tpu.memory_space<vmem>>) dst(%dma_wait3A_97 : memref<10240x128xf32, #tpu.memory_space<vmem_shared>>)
    }
    %scan3A_7 = arith.constant 40 : i32
    %barrier3A_8 = arith.constant 0 : index
    tpu.barrier barrier_id(%barrier3A_8)
    "tpu.region"() ({
      %run_scoped3A = tpu.sem_alloc : memref<!tpu.dma_semaphore, #tpu.memory_space<semaphore_mem>>
      %dma_start3A = arith.constant 0 : i32
      %dma_start3A_9 = tpu.memref_slice %arg6[%arg0, %mul3A_2, %dma_start3A] : memref<2x10240x128xf32, #tpu.memory_space<hbm>> -> memref<1x640x128xf32, #tpu.memory_space<hbm>>
      %dma_start3A_10 = tpu.memref_squeeze %dma_start3A_9 : memref<1x640x128xf32, #tpu.memory_space<hbm>> -> memref<640x128xf32, #tpu.memory_space<hbm>>
      %dma_start3A_11 = arith.constant 0 : i32
      %dma_start3A_12 = tpu.memref_slice %arg12[%mul3A_2, %dma_start3A_11] : memref<10240x128xf32, #tpu.memory_space<vmem_shared>> -> memref<640x128xf32, #tpu.memory_space<vmem_shared>>
      tpu.enqueue_dma source(%dma_start3A_12 : memref<640x128xf32, #tpu.memory_space<vmem_shared>>) target(%dma_start3A_10 : memref<640x128xf32, #tpu.memory_space<hbm>>) target_semaphore(%run_scoped3A : memref<!tpu.dma_semaphore, #tpu.memory_space<semaphore_mem>>)
      %dma_wait3A = arith.constant 0 : i32
      %dma_wait3A_13 = tpu.memref_slice %arg6[%arg0, %mul3A_2, %dma_wait3A] : memref<2x10240x128xf32, #tpu.memory_space<hbm>> -> memref<1x640x128xf32, #tpu.memory_space<hbm>>
      %dma_wait3A_14 = tpu.memref_squeeze %dma_wait3A_13 : memref<1x640x128xf32, #tpu.memory_space<hbm>> -> memref<640x128xf32, #tpu.memory_space<hbm>>
      %dma_wait3A_15 = arith.constant 0 : i32
      %dma_wait3A_16 = tpu.memref_slice %arg12[%mul3A_2, %dma_wait3A_15] : memref<10240x128xf32, #tpu.memory_space<vmem_shared>> -> memref<640x128xf32, #tpu.memory_space<vmem_shared>>
      tpu.wait_dma2 semaphore(%run_scoped3A : memref<!tpu.dma_semaphore, #tpu.memory_space<semaphore_mem>>) src(%dma_wait3A_16 : memref<640x128xf32, #tpu.memory_space<vmem_shared>>) dst(%dma_wait3A_14 : memref<640x128xf32, #tpu.memory_space<hbm>>)
      tpu.yield
    }) : () -> ()
    return
  }
}

#map = affine_map<(d0, d1) -> (0, 0, 0)>
#map1 = affine_map<(d0, d1) -> (0, 0)>
module attributes {stable_mosaic.version = 14 : i64} {
  func.func @deg_kernel(%arg0: i32, %arg1: i32, %arg2: memref<32x80x128xi32, #tpu.memory_space<hbm>>, %arg3: memref<128x128xf32, #tpu.memory_space<hbm>>, %arg4: memref<640x128xf32, #tpu.memory_space<hbm>>, %arg5: memref<2x10240x128xf32, #tpu.memory_space<hbm>>, %arg6: memref<80x128xi32, #tpu.memory_space<vmem>>, %arg7: memref<128x128xf32, #tpu.memory_space<vmem>>, %arg8: memref<10240x128xf32, #tpu.memory_space<vmem_shared>>, %arg9: memref<!tpu.dma_semaphore, #tpu.memory_space<semaphore_mem>>, %arg10: memref<!tpu.dma_semaphore, #tpu.memory_space<semaphore_mem>>) attributes {dimension_semantics = [#tpu.dimension_semantics<core_parallel>, #tpu.dimension_semantics<subcore_parallel>], iteration_bounds = array<i64: 2, 16>, scalar_prefetch = 0 : i64, scratch_operands = 5 : i64, tpu.core_type = #tpu.core_type<sc_vector_subcore>, window_params = [{transform_indices = #map}, {transform_indices = #map1}, {transform_indices = #map1}, {transform_indices = #map}]} {
    %mul3A = arith.constant 16 : i32
    %mul3A_0 = arith.muli %arg0, %mul3A : i32
    %add3A = arith.addi %mul3A_0, %arg1 : i32
    %mul3A_1 = arith.constant 640 : i32
    %mul3A_2 = arith.muli %arg1, %mul3A_1 : i32
    "tpu.region"() ({
      %run_scoped3A = tpu.sem_alloc : memref<!tpu.dma_semaphore, #tpu.memory_space<semaphore_mem>>
      %dma_start3A = arith.constant 0 : i32
      %dma_start3A_9 = tpu.memref_slice %arg8[%mul3A_2, %dma_start3A] : memref<10240x128xf32, #tpu.memory_space<vmem_shared>> -> memref<640x128xf32, #tpu.memory_space<vmem_shared>>
      tpu.enqueue_dma source(%arg4 : memref<640x128xf32, #tpu.memory_space<hbm>>) target(%dma_start3A_9 : memref<640x128xf32, #tpu.memory_space<vmem_shared>>) target_semaphore(%run_scoped3A : memref<!tpu.dma_semaphore, #tpu.memory_space<semaphore_mem>>)
      %dma_wait3A = arith.constant 0 : i32
      %dma_wait3A_10 = tpu.memref_slice %arg8[%mul3A_2, %dma_wait3A] : memref<10240x128xf32, #tpu.memory_space<vmem_shared>> -> memref<640x128xf32, #tpu.memory_space<vmem_shared>>
      tpu.wait_dma2 semaphore(%run_scoped3A : memref<!tpu.dma_semaphore, #tpu.memory_space<semaphore_mem>>) src(%arg4 : memref<640x128xf32, #tpu.memory_space<hbm>>) dst(%dma_wait3A_10 : memref<640x128xf32, #tpu.memory_space<vmem_shared>>)
      tpu.yield
    }) : () -> ()
    "tpu.region"() ({
      %run_scoped3A = tpu.sem_alloc : memref<!tpu.dma_semaphore, #tpu.memory_space<semaphore_mem>>
      tpu.enqueue_dma source(%arg3 : memref<128x128xf32, #tpu.memory_space<hbm>>) target(%arg7 : memref<128x128xf32, #tpu.memory_space<vmem>>) target_semaphore(%run_scoped3A : memref<!tpu.dma_semaphore, #tpu.memory_space<semaphore_mem>>)
      tpu.wait_dma2 semaphore(%run_scoped3A : memref<!tpu.dma_semaphore, #tpu.memory_space<semaphore_mem>>) src(%arg3 : memref<128x128xf32, #tpu.memory_space<hbm>>) dst(%arg7 : memref<128x128xf32, #tpu.memory_space<vmem>>)
      tpu.yield
    }) : () -> ()
    "tpu.region"() ({
      %run_scoped3A = tpu.sem_alloc : memref<!tpu.dma_semaphore, #tpu.memory_space<semaphore_mem>>
      %dma_start3A = arith.constant 0 : i32
      %dma_start3A_9 = arith.constant 0 : i32
      %dma_start3A_10 = tpu.memref_slice %arg2[%add3A, %dma_start3A, %dma_start3A_9] : memref<32x80x128xi32, #tpu.memory_space<hbm>> -> memref<1x80x128xi32, #tpu.memory_space<hbm>>
      %dma_start3A_11 = tpu.memref_squeeze %dma_start3A_10 : memref<1x80x128xi32, #tpu.memory_space<hbm>> -> memref<80x128xi32, #tpu.memory_space<hbm>>
      %dma_start3A_12 = arith.constant 0 : i32
      %dma_start3A_13 = arith.constant 0 : i32
      %dma_start3A_14 = tpu.memref_slice %arg2[%add3A, %dma_start3A_12, %dma_start3A_13] : memref<32x80x128xi32, #tpu.memory_space<hbm>> -> memref<1x80x128xi32, #tpu.memory_space<hbm>>
      %dma_start3A_15 = tpu.memref_squeeze %dma_start3A_14 : memref<1x80x128xi32, #tpu.memory_space<hbm>> -> memref<80x128xi32, #tpu.memory_space<hbm>>
      tpu.enqueue_dma source(%dma_start3A_15 : memref<80x128xi32, #tpu.memory_space<hbm>>) target(%arg6 : memref<80x128xi32, #tpu.memory_space<vmem>>) target_semaphore(%run_scoped3A : memref<!tpu.dma_semaphore, #tpu.memory_space<semaphore_mem>>)
      %dma_wait3A = arith.constant 0 : i32
      %dma_wait3A_16 = arith.constant 0 : i32
      %dma_wait3A_17 = tpu.memref_slice %arg2[%add3A, %dma_wait3A, %dma_wait3A_16] : memref<32x80x128xi32, #tpu.memory_space<hbm>> -> memref<1x80x128xi32, #tpu.memory_space<hbm>>
      %dma_wait3A_18 = tpu.memref_squeeze %dma_wait3A_17 : memref<1x80x128xi32, #tpu.memory_space<hbm>> -> memref<80x128xi32, #tpu.memory_space<hbm>>
      %dma_wait3A_19 = arith.constant 0 : i32
      %dma_wait3A_20 = arith.constant 0 : i32
      %dma_wait3A_21 = tpu.memref_slice %arg2[%add3A, %dma_wait3A_19, %dma_wait3A_20] : memref<32x80x128xi32, #tpu.memory_space<hbm>> -> memref<1x80x128xi32, #tpu.memory_space<hbm>>
      %dma_wait3A_22 = tpu.memref_squeeze %dma_wait3A_21 : memref<1x80x128xi32, #tpu.memory_space<hbm>> -> memref<80x128xi32, #tpu.memory_space<hbm>>
      tpu.wait_dma2 semaphore(%run_scoped3A : memref<!tpu.dma_semaphore, #tpu.memory_space<semaphore_mem>>) src(%dma_wait3A_22 : memref<80x128xi32, #tpu.memory_space<hbm>>) dst(%arg6 : memref<80x128xi32, #tpu.memory_space<vmem>>)
      tpu.yield
    }) : () -> ()
    %barrier3A = arith.constant 0 : index
    tpu.barrier barrier_id(%barrier3A)
    %scan3A = arith.constant 0 : i32
    %scan3A_3 = arith.constant 0 : i32
    %scan3A_4 = arith.constant 40 : i32
    %scan3A_5 = arith.addi %scan3A_3, %scan3A_4 : i32
    %scan3A_6 = arith.constant 1 : i32
    scf.for %scan3A_9 = %scan3A_3 to %scan3A_5 step %scan3A_6  : i32 {
      %mul3A_10 = arith.constant 2 : i32
      %mul3A_11 = arith.muli %mul3A_10, %scan3A_9 : i32
      %dma_start3A = arith.constant 0 : i32
      %dma_start3A_12 = tpu.memref_slice %arg6[%mul3A_11, %dma_start3A] : memref<80x128xi32, #tpu.memory_space<vmem>> -> memref<1x128xi32, #tpu.memory_space<vmem>>
      %dma_start3A_13 = tpu.memref_squeeze %dma_start3A_12 : memref<1x128xi32, #tpu.memory_space<vmem>> -> memref<128xi32, #tpu.memory_space<vmem>>
      %dma_start3A_14 = arith.constant 0 : i32
      %dma_start3A_15 = arith.constant 0 : i32
      %dma_start3A_16 = tpu.memref_slice %arg8[%dma_start3A_14, %dma_start3A_15] : memref<10240x128xf32, #tpu.memory_space<vmem_shared>> -> memref<10240x128xf32, #tpu.memory_space<vmem_shared>>
      tpu.enqueue_indirect_dma source(%arg7 : memref<128x128xf32, #tpu.memory_space<vmem>>) target(%dma_start3A_16 : memref<10240x128xf32, #tpu.memory_space<vmem_shared>>) offsets(%dma_start3A_13 : memref<128xi32, #tpu.memory_space<vmem>>) semaphore(%arg9 : memref<!tpu.dma_semaphore, #tpu.memory_space<semaphore_mem>>) {add = true}
      %add3A_17 = arith.constant 1 : i32
      %add3A_18 = arith.addi %mul3A_11, %add3A_17 : i32
      %dma_start3A_19 = arith.constant 0 : i32
      %dma_start3A_20 = tpu.memref_slice %arg6[%add3A_18, %dma_start3A_19] : memref<80x128xi32, #tpu.memory_space<vmem>> -> memref<1x128xi32, #tpu.memory_space<vmem>>
      %dma_start3A_21 = tpu.memref_squeeze %dma_start3A_20 : memref<1x128xi32, #tpu.memory_space<vmem>> -> memref<128xi32, #tpu.memory_space<vmem>>
      %dma_start3A_22 = arith.constant 0 : i32
      %dma_start3A_23 = arith.constant 0 : i32
      %dma_start3A_24 = tpu.memref_slice %arg8[%dma_start3A_22, %dma_start3A_23] : memref<10240x128xf32, #tpu.memory_space<vmem_shared>> -> memref<10240x128xf32, #tpu.memory_space<vmem_shared>>
      tpu.enqueue_indirect_dma source(%arg7 : memref<128x128xf32, #tpu.memory_space<vmem>>) target(%dma_start3A_24 : memref<10240x128xf32, #tpu.memory_space<vmem_shared>>) offsets(%dma_start3A_21 : memref<128xi32, #tpu.memory_space<vmem>>) semaphore(%arg10 : memref<!tpu.dma_semaphore, #tpu.memory_space<semaphore_mem>>) {add = true}
      %dma_wait3A = arith.constant 0 : i32
      %dma_wait3A_25 = tpu.memref_slice %arg6[%mul3A_11, %dma_wait3A] : memref<80x128xi32, #tpu.memory_space<vmem>> -> memref<1x128xi32, #tpu.memory_space<vmem>>
      %dma_wait3A_26 = tpu.memref_squeeze %dma_wait3A_25 : memref<1x128xi32, #tpu.memory_space<vmem>> -> memref<128xi32, #tpu.memory_space<vmem>>
      %dma_wait3A_27 = arith.constant 0 : i32
      %dma_wait3A_28 = arith.constant 0 : i32
      %dma_wait3A_29 = tpu.memref_slice %arg8[%dma_wait3A_27, %dma_wait3A_28] : memref<10240x128xf32, #tpu.memory_space<vmem_shared>> -> memref<10240x128xf32, #tpu.memory_space<vmem_shared>>
      tpu.wait_indirect_dma semaphore(%arg9 : memref<!tpu.dma_semaphore, #tpu.memory_space<semaphore_mem>>) src(%arg7 : memref<128x128xf32, #tpu.memory_space<vmem>>) dst(%dma_wait3A_29 : memref<10240x128xf32, #tpu.memory_space<vmem_shared>>)
      %add3A_30 = arith.constant 1 : i32
      %add3A_31 = arith.addi %mul3A_11, %add3A_30 : i32
      %dma_wait3A_32 = arith.constant 0 : i32
      %dma_wait3A_33 = tpu.memref_slice %arg6[%add3A_31, %dma_wait3A_32] : memref<80x128xi32, #tpu.memory_space<vmem>> -> memref<1x128xi32, #tpu.memory_space<vmem>>
      %dma_wait3A_34 = tpu.memref_squeeze %dma_wait3A_33 : memref<1x128xi32, #tpu.memory_space<vmem>> -> memref<128xi32, #tpu.memory_space<vmem>>
      %dma_wait3A_35 = arith.constant 0 : i32
      %dma_wait3A_36 = arith.constant 0 : i32
      %dma_wait3A_37 = tpu.memref_slice %arg8[%dma_wait3A_35, %dma_wait3A_36] : memref<10240x128xf32, #tpu.memory_space<vmem_shared>> -> memref<10240x128xf32, #tpu.memory_space<vmem_shared>>
      tpu.wait_indirect_dma semaphore(%arg10 : memref<!tpu.dma_semaphore, #tpu.memory_space<semaphore_mem>>) src(%arg7 : memref<128x128xf32, #tpu.memory_space<vmem>>) dst(%dma_wait3A_37 : memref<10240x128xf32, #tpu.memory_space<vmem_shared>>)
    }
    %scan3A_7 = arith.constant 40 : i32
    %barrier3A_8 = arith.constant 0 : index
    tpu.barrier barrier_id(%barrier3A_8)
    "tpu.region"() ({
      %run_scoped3A = tpu.sem_alloc : memref<!tpu.dma_semaphore, #tpu.memory_space<semaphore_mem>>
      %dma_start3A = arith.constant 0 : i32
      %dma_start3A_9 = tpu.memref_slice %arg5[%arg0, %mul3A_2, %dma_start3A] : memref<2x10240x128xf32, #tpu.memory_space<hbm>> -> memref<1x640x128xf32, #tpu.memory_space<hbm>>
      %dma_start3A_10 = tpu.memref_squeeze %dma_start3A_9 : memref<1x640x128xf32, #tpu.memory_space<hbm>> -> memref<640x128xf32, #tpu.memory_space<hbm>>
      %dma_start3A_11 = arith.constant 0 : i32
      %dma_start3A_12 = tpu.memref_slice %arg8[%mul3A_2, %dma_start3A_11] : memref<10240x128xf32, #tpu.memory_space<vmem_shared>> -> memref<640x128xf32, #tpu.memory_space<vmem_shared>>
      tpu.enqueue_dma source(%dma_start3A_12 : memref<640x128xf32, #tpu.memory_space<vmem_shared>>) target(%dma_start3A_10 : memref<640x128xf32, #tpu.memory_space<hbm>>) target_semaphore(%run_scoped3A : memref<!tpu.dma_semaphore, #tpu.memory_space<semaphore_mem>>)
      %dma_wait3A = arith.constant 0 : i32
      %dma_wait3A_13 = tpu.memref_slice %arg5[%arg0, %mul3A_2, %dma_wait3A] : memref<2x10240x128xf32, #tpu.memory_space<hbm>> -> memref<1x640x128xf32, #tpu.memory_space<hbm>>
      %dma_wait3A_14 = tpu.memref_squeeze %dma_wait3A_13 : memref<1x640x128xf32, #tpu.memory_space<hbm>> -> memref<640x128xf32, #tpu.memory_space<hbm>>
      %dma_wait3A_15 = arith.constant 0 : i32
      %dma_wait3A_16 = tpu.memref_slice %arg8[%mul3A_2, %dma_wait3A_15] : memref<10240x128xf32, #tpu.memory_space<vmem_shared>> -> memref<640x128xf32, #tpu.memory_space<vmem_shared>>
      tpu.wait_dma2 semaphore(%run_scoped3A : memref<!tpu.dma_semaphore, #tpu.memory_space<semaphore_mem>>) src(%dma_wait3A_16 : memref<640x128xf32, #tpu.memory_space<vmem_shared>>) dst(%dma_wait3A_14 : memref<640x128xf32, #tpu.memory_space<hbm>>)
      tpu.yield
    }) : () -> ()
    return
  }
}

#map = affine_map<(d0, d1) -> (0, 0)>
#map1 = affine_map<(d0, d1) -> (0, 0, 0)>
module attributes {stable_mosaic.version = 14 : i64} {
  func.func @scatter_kernel(%arg0: i32, %arg1: i32, %arg2: memref<10000x128xf32, #tpu.memory_space<hbm>>, %arg3: memref<32x80x128xi32, #tpu.memory_space<hbm>>, %arg4: memref<32x80x128xi32, #tpu.memory_space<hbm>>, %arg5: memref<640x128xf32, #tpu.memory_space<hbm>>, %arg6: memref<2x10240x128xf32, #tpu.memory_space<hbm>>, %arg7: memref<80x128xi32, #tpu.memory_space<vmem>>, %arg8: memref<1x128xi32, #tpu.memory_space<vmem>>, %arg9: memref<1x128xi32, #tpu.memory_space<vmem>>, %arg10: memref<128x128xf32, #tpu.memory_space<vmem>>, %arg11: memref<128x128xf32, #tpu.memory_space<vmem>>, %arg12: memref<10240x128xf32, #tpu.memory_space<vmem_shared>>, %arg13: memref<!tpu.dma_semaphore, #tpu.memory_space<semaphore_mem>>, %arg14: memref<!tpu.dma_semaphore, #tpu.memory_space<semaphore_mem>>, %arg15: memref<!tpu.dma_semaphore, #tpu.memory_space<semaphore_mem>>, %arg16: memref<!tpu.dma_semaphore, #tpu.memory_space<semaphore_mem>>, %arg17: memref<!tpu.dma_semaphore, #tpu.memory_space<semaphore_mem>>, %arg18: memref<!tpu.dma_semaphore, #tpu.memory_space<semaphore_mem>>) attributes {dimension_semantics = [#tpu.dimension_semantics<core_parallel>, #tpu.dimension_semantics<subcore_parallel>], iteration_bounds = array<i64: 2, 16>, scalar_prefetch = 0 : i64, scratch_operands = 12 : i64, tpu.core_type = #tpu.core_type<sc_vector_subcore>, window_params = [{transform_indices = #map}, {transform_indices = #map1}, {transform_indices = #map1}, {transform_indices = #map}, {transform_indices = #map1}]} {
    %mul3A = arith.constant 16 : i32
    %mul3A_0 = arith.muli %arg0, %mul3A : i32
    %add3A = arith.addi %mul3A_0, %arg1 : i32
    %mul3A_1 = arith.constant 640 : i32
    %mul3A_2 = arith.muli %arg1, %mul3A_1 : i32
    "tpu.region"() ({
      %run_scoped3A = tpu.sem_alloc : memref<!tpu.dma_semaphore, #tpu.memory_space<semaphore_mem>>
      %dma_start3A = arith.constant 0 : i32
      %dma_start3A_9 = tpu.memref_slice %arg12[%mul3A_2, %dma_start3A] : memref<10240x128xf32, #tpu.memory_space<vmem_shared>> -> memref<640x128xf32, #tpu.memory_space<vmem_shared>>
      tpu.enqueue_dma source(%arg5 : memref<640x128xf32, #tpu.memory_space<hbm>>) target(%dma_start3A_9 : memref<640x128xf32, #tpu.memory_space<vmem_shared>>) target_semaphore(%run_scoped3A : memref<!tpu.dma_semaphore, #tpu.memory_space<semaphore_mem>>)
      %dma_wait3A = arith.constant 0 : i32
      %dma_wait3A_10 = tpu.memref_slice %arg12[%mul3A_2, %dma_wait3A] : memref<10240x128xf32, #tpu.memory_space<vmem_shared>> -> memref<640x128xf32, #tpu.memory_space<vmem_shared>>
      tpu.wait_dma2 semaphore(%run_scoped3A : memref<!tpu.dma_semaphore, #tpu.memory_space<semaphore_mem>>) src(%arg5 : memref<640x128xf32, #tpu.memory_space<hbm>>) dst(%dma_wait3A_10 : memref<640x128xf32, #tpu.memory_space<vmem_shared>>)
      tpu.yield
    }) : () -> ()
    "tpu.region"() ({
      %run_scoped3A = tpu.sem_alloc : memref<!tpu.dma_semaphore, #tpu.memory_space<semaphore_mem>>
      %dma_start3A = arith.constant 0 : i32
      %dma_start3A_9 = arith.constant 0 : i32
      %dma_start3A_10 = tpu.memref_slice %arg3[%add3A, %dma_start3A, %dma_start3A_9] : memref<32x80x128xi32, #tpu.memory_space<hbm>> -> memref<1x80x128xi32, #tpu.memory_space<hbm>>
      %dma_start3A_11 = tpu.memref_squeeze %dma_start3A_10 : memref<1x80x128xi32, #tpu.memory_space<hbm>> -> memref<80x128xi32, #tpu.memory_space<hbm>>
      %dma_start3A_12 = arith.constant 0 : i32
      %dma_start3A_13 = arith.constant 0 : i32
      %dma_start3A_14 = tpu.memref_slice %arg3[%add3A, %dma_start3A_12, %dma_start3A_13] : memref<32x80x128xi32, #tpu.memory_space<hbm>> -> memref<1x80x128xi32, #tpu.memory_space<hbm>>
      %dma_start3A_15 = tpu.memref_squeeze %dma_start3A_14 : memref<1x80x128xi32, #tpu.memory_space<hbm>> -> memref<80x128xi32, #tpu.memory_space<hbm>>
      tpu.enqueue_dma source(%dma_start3A_15 : memref<80x128xi32, #tpu.memory_space<hbm>>) target(%arg7 : memref<80x128xi32, #tpu.memory_space<vmem>>) target_semaphore(%run_scoped3A : memref<!tpu.dma_semaphore, #tpu.memory_space<semaphore_mem>>)
      %dma_wait3A = arith.constant 0 : i32
      %dma_wait3A_16 = arith.constant 0 : i32
      %dma_wait3A_17 = tpu.memref_slice %arg3[%add3A, %dma_wait3A, %dma_wait3A_16] : memref<32x80x128xi32, #tpu.memory_space<hbm>> -> memref<1x80x128xi32, #tpu.memory_space<hbm>>
      %dma_wait3A_18 = tpu.memref_squeeze %dma_wait3A_17 : memref<1x80x128xi32, #tpu.memory_space<hbm>> -> memref<80x128xi32, #tpu.memory_space<hbm>>
      %dma_wait3A_19 = arith.constant 0 : i32
      %dma_wait3A_20 = arith.constant 0 : i32
      %dma_wait3A_21 = tpu.memref_slice %arg3[%add3A, %dma_wait3A_19, %dma_wait3A_20] : memref<32x80x128xi32, #tpu.memory_space<hbm>> -> memref<1x80x128xi32, #tpu.memory_space<hbm>>
      %dma_wait3A_22 = tpu.memref_squeeze %dma_wait3A_21 : memref<1x80x128xi32, #tpu.memory_space<hbm>> -> memref<80x128xi32, #tpu.memory_space<hbm>>
      tpu.wait_dma2 semaphore(%run_scoped3A : memref<!tpu.dma_semaphore, #tpu.memory_space<semaphore_mem>>) src(%dma_wait3A_22 : memref<80x128xi32, #tpu.memory_space<hbm>>) dst(%arg7 : memref<80x128xi32, #tpu.memory_space<vmem>>)
      tpu.yield
    }) : () -> ()
    %barrier3A = arith.constant 0 : index
    tpu.barrier barrier_id(%barrier3A)
    %scan3A = arith.constant 0 : i32
    %scan3A_3 = arith.constant 0 : i32
    %scan3A_4 = arith.constant 40 : i32
    %scan3A_5 = arith.addi %scan3A_3, %scan3A_4 : i32
    %scan3A_6 = arith.constant 1 : i32
    scf.for %scan3A_9 = %scan3A_3 to %scan3A_5 step %scan3A_6  : i32 {
      %mul3A_10 = arith.constant 2 : i32
      %mul3A_11 = arith.muli %mul3A_10, %scan3A_9 : i32
      %dma_start3A = arith.constant 0 : i32
      %dma_start3A_12 = tpu.memref_slice %arg4[%add3A, %mul3A_11, %dma_start3A] : memref<32x80x128xi32, #tpu.memory_space<hbm>> -> memref<1x1x128xi32, #tpu.memory_space<hbm>>
      %dma_start3A_13 = tpu.memref_squeeze %dma_start3A_12 : memref<1x1x128xi32, #tpu.memory_space<hbm>> -> memref<1x128xi32, #tpu.memory_space<hbm>>
      %dma_start3A_14 = arith.constant 0 : i32
      %dma_start3A_15 = tpu.memref_slice %arg4[%add3A, %mul3A_11, %dma_start3A_14] : memref<32x80x128xi32, #tpu.memory_space<hbm>> -> memref<1x1x128xi32, #tpu.memory_space<hbm>>
      %dma_start3A_16 = tpu.memref_squeeze %dma_start3A_15 : memref<1x1x128xi32, #tpu.memory_space<hbm>> -> memref<1x128xi32, #tpu.memory_space<hbm>>
      tpu.enqueue_dma source(%dma_start3A_16 : memref<1x128xi32, #tpu.memory_space<hbm>>) target(%arg8 : memref<1x128xi32, #tpu.memory_space<vmem>>) target_semaphore(%arg15 : memref<!tpu.dma_semaphore, #tpu.memory_space<semaphore_mem>>)
      %add3A_17 = arith.constant 1 : i32
      %add3A_18 = arith.addi %mul3A_11, %add3A_17 : i32
      %dma_start3A_19 = arith.constant 0 : i32
      %dma_start3A_20 = tpu.memref_slice %arg4[%add3A, %add3A_18, %dma_start3A_19] : memref<32x80x128xi32, #tpu.memory_space<hbm>> -> memref<1x1x128xi32, #tpu.memory_space<hbm>>
      %dma_start3A_21 = tpu.memref_squeeze %dma_start3A_20 : memref<1x1x128xi32, #tpu.memory_space<hbm>> -> memref<1x128xi32, #tpu.memory_space<hbm>>
      %dma_start3A_22 = arith.constant 0 : i32
      %dma_start3A_23 = tpu.memref_slice %arg4[%add3A, %add3A_18, %dma_start3A_22] : memref<32x80x128xi32, #tpu.memory_space<hbm>> -> memref<1x1x128xi32, #tpu.memory_space<hbm>>
      %dma_start3A_24 = tpu.memref_squeeze %dma_start3A_23 : memref<1x1x128xi32, #tpu.memory_space<hbm>> -> memref<1x128xi32, #tpu.memory_space<hbm>>
      tpu.enqueue_dma source(%dma_start3A_24 : memref<1x128xi32, #tpu.memory_space<hbm>>) target(%arg9 : memref<1x128xi32, #tpu.memory_space<vmem>>) target_semaphore(%arg16 : memref<!tpu.dma_semaphore, #tpu.memory_space<semaphore_mem>>)
      %dma_start3A_25 = arith.constant 0 : i32
      %dma_start3A_26 = tpu.memref_slice %arg7[%mul3A_11, %dma_start3A_25] : memref<80x128xi32, #tpu.memory_space<vmem>> -> memref<1x128xi32, #tpu.memory_space<vmem>>
      %dma_start3A_27 = tpu.memref_squeeze %dma_start3A_26 : memref<1x128xi32, #tpu.memory_space<vmem>> -> memref<128xi32, #tpu.memory_space<vmem>>
      %dma_start3A_28 = arith.constant 0 : i32
      %dma_start3A_29 = arith.constant 0 : i32
      %dma_start3A_30 = tpu.memref_slice %arg2[%dma_start3A_28, %dma_start3A_29] : memref<10000x128xf32, #tpu.memory_space<hbm>> -> memref<10000x128xf32, #tpu.memory_space<hbm>>
      tpu.enqueue_indirect_dma source(%dma_start3A_30 : memref<10000x128xf32, #tpu.memory_space<hbm>>) target(%arg10 : memref<128x128xf32, #tpu.memory_space<vmem>>) offsets(%dma_start3A_27 : memref<128xi32, #tpu.memory_space<vmem>>) semaphore(%arg13 : memref<!tpu.dma_semaphore, #tpu.memory_space<semaphore_mem>>)
      %add3A_31 = arith.constant 1 : i32
      %add3A_32 = arith.addi %mul3A_11, %add3A_31 : i32
      %dma_start3A_33 = arith.constant 0 : i32
      %dma_start3A_34 = tpu.memref_slice %arg7[%add3A_32, %dma_start3A_33] : memref<80x128xi32, #tpu.memory_space<vmem>> -> memref<1x128xi32, #tpu.memory_space<vmem>>
      %dma_start3A_35 = tpu.memref_squeeze %dma_start3A_34 : memref<1x128xi32, #tpu.memory_space<vmem>> -> memref<128xi32, #tpu.memory_space<vmem>>
      %dma_start3A_36 = arith.constant 0 : i32
      %dma_start3A_37 = arith.constant 0 : i32
      %dma_start3A_38 = tpu.memref_slice %arg2[%dma_start3A_36, %dma_start3A_37] : memref<10000x128xf32, #tpu.memory_space<hbm>> -> memref<10000x128xf32, #tpu.memory_space<hbm>>
      tpu.enqueue_indirect_dma source(%dma_start3A_38 : memref<10000x128xf32, #tpu.memory_space<hbm>>) target(%arg11 : memref<128x128xf32, #tpu.memory_space<vmem>>) offsets(%dma_start3A_35 : memref<128xi32, #tpu.memory_space<vmem>>) semaphore(%arg14 : memref<!tpu.dma_semaphore, #tpu.memory_space<semaphore_mem>>)
      %dma_wait3A = arith.constant 0 : i32
      %dma_wait3A_39 = tpu.memref_slice %arg7[%mul3A_11, %dma_wait3A] : memref<80x128xi32, #tpu.memory_space<vmem>> -> memref<1x128xi32, #tpu.memory_space<vmem>>
      %dma_wait3A_40 = tpu.memref_squeeze %dma_wait3A_39 : memref<1x128xi32, #tpu.memory_space<vmem>> -> memref<128xi32, #tpu.memory_space<vmem>>
      %dma_wait3A_41 = arith.constant 0 : i32
      %dma_wait3A_42 = arith.constant 0 : i32
      %dma_wait3A_43 = tpu.memref_slice %arg2[%dma_wait3A_41, %dma_wait3A_42] : memref<10000x128xf32, #tpu.memory_space<hbm>> -> memref<10000x128xf32, #tpu.memory_space<hbm>>
      tpu.wait_indirect_dma semaphore(%arg13 : memref<!tpu.dma_semaphore, #tpu.memory_space<semaphore_mem>>) src(%dma_wait3A_43 : memref<10000x128xf32, #tpu.memory_space<hbm>>) dst(%arg10 : memref<128x128xf32, #tpu.memory_space<vmem>>)
      %add3A_44 = arith.constant 1 : i32
      %add3A_45 = arith.addi %mul3A_11, %add3A_44 : i32
      %dma_wait3A_46 = arith.constant 0 : i32
      %dma_wait3A_47 = tpu.memref_slice %arg7[%add3A_45, %dma_wait3A_46] : memref<80x128xi32, #tpu.memory_space<vmem>> -> memref<1x128xi32, #tpu.memory_space<vmem>>
      %dma_wait3A_48 = tpu.memref_squeeze %dma_wait3A_47 : memref<1x128xi32, #tpu.memory_space<vmem>> -> memref<128xi32, #tpu.memory_space<vmem>>
      %dma_wait3A_49 = arith.constant 0 : i32
      %dma_wait3A_50 = arith.constant 0 : i32
      %dma_wait3A_51 = tpu.memref_slice %arg2[%dma_wait3A_49, %dma_wait3A_50] : memref<10000x128xf32, #tpu.memory_space<hbm>> -> memref<10000x128xf32, #tpu.memory_space<hbm>>
      tpu.wait_indirect_dma semaphore(%arg14 : memref<!tpu.dma_semaphore, #tpu.memory_space<semaphore_mem>>) src(%dma_wait3A_51 : memref<10000x128xf32, #tpu.memory_space<hbm>>) dst(%arg11 : memref<128x128xf32, #tpu.memory_space<vmem>>)
      %dma_wait3A_52 = arith.constant 0 : i32
      %dma_wait3A_53 = arith.constant 0 : i32
      %dma_wait3A_54 = arith.constant 0 : i32
      %dma_wait3A_55 = tpu.memref_slice %arg4[%dma_wait3A_52, %dma_wait3A_53, %dma_wait3A_54] : memref<32x80x128xi32, #tpu.memory_space<hbm>> -> memref<1x1x128xi32, #tpu.memory_space<hbm>>
      %dma_wait3A_56 = tpu.memref_squeeze %dma_wait3A_55 : memref<1x1x128xi32, #tpu.memory_space<hbm>> -> memref<1x128xi32, #tpu.memory_space<hbm>>
      %dma_wait3A_57 = arith.constant 0 : i32
      %dma_wait3A_58 = arith.constant 0 : i32
      %dma_wait3A_59 = tpu.memref_slice %arg4[%dma_wait3A_52, %dma_wait3A_57, %dma_wait3A_58] : memref<32x80x128xi32, #tpu.memory_space<hbm>> -> memref<1x1x128xi32, #tpu.memory_space<hbm>>
      %dma_wait3A_60 = tpu.memref_squeeze %dma_wait3A_59 : memref<1x1x128xi32, #tpu.memory_space<hbm>> -> memref<1x128xi32, #tpu.memory_space<hbm>>
      tpu.wait_dma2 semaphore(%arg15 : memref<!tpu.dma_semaphore, #tpu.memory_space<semaphore_mem>>) src(%dma_wait3A_60 : memref<1x128xi32, #tpu.memory_space<hbm>>) dst(%arg8 : memref<1x128xi32, #tpu.memory_space<vmem>>)
      %dma_wait3A_61 = arith.constant 0 : i32
      %dma_wait3A_62 = arith.constant 0 : i32
      %dma_wait3A_63 = arith.constant 0 : i32
      %dma_wait3A_64 = tpu.memref_slice %arg4[%dma_wait3A_61, %dma_wait3A_62, %dma_wait3A_63] : memref<32x80x128xi32, #tpu.memory_space<hbm>> -> memref<1x1x128xi32, #tpu.memory_space<hbm>>
      %dma_wait3A_65 = tpu.memref_squeeze %dma_wait3A_64 : memref<1x1x128xi32, #tpu.memory_space<hbm>> -> memref<1x128xi32, #tpu.memory_space<hbm>>
      %dma_wait3A_66 = arith.constant 0 : i32
      %dma_wait3A_67 = arith.constant 0 : i32
      %dma_wait3A_68 = tpu.memref_slice %arg4[%dma_wait3A_61, %dma_wait3A_66, %dma_wait3A_67] : memref<32x80x128xi32, #tpu.memory_space<hbm>> -> memref<1x1x128xi32, #tpu.memory_space<hbm>>
      %dma_wait3A_69 = tpu.memref_squeeze %dma_wait3A_68 : memref<1x1x128xi32, #tpu.memory_space<hbm>> -> memref<1x128xi32, #tpu.memory_space<hbm>>
      tpu.wait_dma2 semaphore(%arg16 : memref<!tpu.dma_semaphore, #tpu.memory_space<semaphore_mem>>) src(%dma_wait3A_69 : memref<1x128xi32, #tpu.memory_space<hbm>>) dst(%arg9 : memref<1x128xi32, #tpu.memory_space<vmem>>)
      %dma_start3A_70 = arith.constant 0 : i32
      %dma_start3A_71 = arith.constant 0 : i32
      %dma_start3A_72 = tpu.memref_slice %arg8[%dma_start3A_70, %dma_start3A_71] : memref<1x128xi32, #tpu.memory_space<vmem>> -> memref<1x128xi32, #tpu.memory_space<vmem>>
      %dma_start3A_73 = tpu.memref_squeeze %dma_start3A_72 : memref<1x128xi32, #tpu.memory_space<vmem>> -> memref<128xi32, #tpu.memory_space<vmem>>
      %dma_start3A_74 = arith.constant 0 : i32
      %dma_start3A_75 = arith.constant 0 : i32
      %dma_start3A_76 = tpu.memref_slice %arg12[%dma_start3A_74, %dma_start3A_75] : memref<10240x128xf32, #tpu.memory_space<vmem_shared>> -> memref<10240x128xf32, #tpu.memory_space<vmem_shared>>
      tpu.enqueue_indirect_dma source(%arg10 : memref<128x128xf32, #tpu.memory_space<vmem>>) target(%dma_start3A_76 : memref<10240x128xf32, #tpu.memory_space<vmem_shared>>) offsets(%dma_start3A_73 : memref<128xi32, #tpu.memory_space<vmem>>) semaphore(%arg17 : memref<!tpu.dma_semaphore, #tpu.memory_space<semaphore_mem>>) {add = true}
      %dma_start3A_77 = arith.constant 0 : i32
      %dma_start3A_78 = arith.constant 0 : i32
      %dma_start3A_79 = tpu.memref_slice %arg9[%dma_start3A_77, %dma_start3A_78] : memref<1x128xi32, #tpu.memory_space<vmem>> -> memref<1x128xi32, #tpu.memory_space<vmem>>
      %dma_start3A_80 = tpu.memref_squeeze %dma_start3A_79 : memref<1x128xi32, #tpu.memory_space<vmem>> -> memref<128xi32, #tpu.memory_space<vmem>>
      %dma_start3A_81 = arith.constant 0 : i32
      %dma_start3A_82 = arith.constant 0 : i32
      %dma_start3A_83 = tpu.memref_slice %arg12[%dma_start3A_81, %dma_start3A_82] : memref<10240x128xf32, #tpu.memory_space<vmem_shared>> -> memref<10240x128xf32, #tpu.memory_space<vmem_shared>>
      tpu.enqueue_indirect_dma source(%arg11 : memref<128x128xf32, #tpu.memory_space<vmem>>) target(%dma_start3A_83 : memref<10240x128xf32, #tpu.memory_space<vmem_shared>>) offsets(%dma_start3A_80 : memref<128xi32, #tpu.memory_space<vmem>>) semaphore(%arg18 : memref<!tpu.dma_semaphore, #tpu.memory_space<semaphore_mem>>) {add = true}
      %dma_wait3A_84 = arith.constant 0 : i32
      %dma_wait3A_85 = arith.constant 0 : i32
      %dma_wait3A_86 = tpu.memref_slice %arg8[%dma_wait3A_84, %dma_wait3A_85] : memref<1x128xi32, #tpu.memory_space<vmem>> -> memref<1x128xi32, #tpu.memory_space<vmem>>
      %dma_wait3A_87 = tpu.memref_squeeze %dma_wait3A_86 : memref<1x128xi32, #tpu.memory_space<vmem>> -> memref<128xi32, #tpu.memory_space<vmem>>
      %dma_wait3A_88 = arith.constant 0 : i32
      %dma_wait3A_89 = arith.constant 0 : i32
      %dma_wait3A_90 = tpu.memref_slice %arg12[%dma_wait3A_88, %dma_wait3A_89] : memref<10240x128xf32, #tpu.memory_space<vmem_shared>> -> memref<10240x128xf32, #tpu.memory_space<vmem_shared>>
      tpu.wait_indirect_dma semaphore(%arg17 : memref<!tpu.dma_semaphore, #tpu.memory_space<semaphore_mem>>) src(%arg10 : memref<128x128xf32, #tpu.memory_space<vmem>>) dst(%dma_wait3A_90 : memref<10240x128xf32, #tpu.memory_space<vmem_shared>>)
      %dma_wait3A_91 = arith.constant 0 : i32
      %dma_wait3A_92 = arith.constant 0 : i32
      %dma_wait3A_93 = tpu.memref_slice %arg9[%dma_wait3A_91, %dma_wait3A_92] : memref<1x128xi32, #tpu.memory_space<vmem>> -> memref<1x128xi32, #tpu.memory_space<vmem>>
      %dma_wait3A_94 = tpu.memref_squeeze %dma_wait3A_93 : memref<1x128xi32, #tpu.memory_space<vmem>> -> memref<128xi32, #tpu.memory_space<vmem>>
      %dma_wait3A_95 = arith.constant 0 : i32
      %dma_wait3A_96 = arith.constant 0 : i32
      %dma_wait3A_97 = tpu.memref_slice %arg12[%dma_wait3A_95, %dma_wait3A_96] : memref<10240x128xf32, #tpu.memory_space<vmem_shared>> -> memref<10240x128xf32, #tpu.memory_space<vmem_shared>>
      tpu.wait_indirect_dma semaphore(%arg18 : memref<!tpu.dma_semaphore, #tpu.memory_space<semaphore_mem>>) src(%arg11 : memref<128x128xf32, #tpu.memory_space<vmem>>) dst(%dma_wait3A_97 : memref<10240x128xf32, #tpu.memory_space<vmem_shared>>)
    }
    %scan3A_7 = arith.constant 40 : i32
    %barrier3A_8 = arith.constant 0 : index
    tpu.barrier barrier_id(%barrier3A_8)
    "tpu.region"() ({
      %run_scoped3A = tpu.sem_alloc : memref<!tpu.dma_semaphore, #tpu.memory_space<semaphore_mem>>
      %dma_start3A = arith.constant 0 : i32
      %dma_start3A_9 = tpu.memref_slice %arg6[%arg0, %mul3A_2, %dma_start3A] : memref<2x10240x128xf32, #tpu.memory_space<hbm>> -> memref<1x640x128xf32, #tpu.memory_space<hbm>>
      %dma_start3A_10 = tpu.memref_squeeze %dma_start3A_9 : memref<1x640x128xf32, #tpu.memory_space<hbm>> -> memref<640x128xf32, #tpu.memory_space<hbm>>
      %dma_start3A_11 = arith.constant 0 : i32
      %dma_start3A_12 = tpu.memref_slice %arg12[%mul3A_2, %dma_start3A_11] : memref<10240x128xf32, #tpu.memory_space<vmem_shared>> -> memref<640x128xf32, #tpu.memory_space<vmem_shared>>
      tpu.enqueue_dma source(%dma_start3A_12 : memref<640x128xf32, #tpu.memory_space<vmem_shared>>) target(%dma_start3A_10 : memref<640x128xf32, #tpu.memory_space<hbm>>) target_semaphore(%run_scoped3A : memref<!tpu.dma_semaphore, #tpu.memory_space<semaphore_mem>>)
      %dma_wait3A = arith.constant 0 : i32
      %dma_wait3A_13 = tpu.memref_slice %arg6[%arg0, %mul3A_2, %dma_wait3A] : memref<2x10240x128xf32, #tpu.memory_space<hbm>> -> memref<1x640x128xf32, #tpu.memory_space<hbm>>
      %dma_wait3A_14 = tpu.memref_squeeze %dma_wait3A_13 : memref<1x640x128xf32, #tpu.memory_space<hbm>> -> memref<640x128xf32, #tpu.memory_space<hbm>>
      %dma_wait3A_15 = arith.constant 0 : i32
      %dma_wait3A_16 = tpu.memref_slice %arg12[%mul3A_2, %dma_wait3A_15] : memref<10240x128xf32, #tpu.memory_space<vmem_shared>> -> memref<640x128xf32, #tpu.memory_space<vmem_shared>>
      tpu.wait_dma2 semaphore(%run_scoped3A : memref<!tpu.dma_semaphore, #tpu.memory_space<semaphore_mem>>) src(%dma_wait3A_16 : memref<640x128xf32, #tpu.memory_space<vmem_shared>>) dst(%dma_wait3A_14 : memref<640x128xf32, #tpu.memory_space<hbm>>)
      tpu.yield
    }) : () -> ()
    return
  }
}

#map = affine_map<(d0, d1) -> (0, 0)>
#map1 = affine_map<(d0, d1) -> (0, 0, 0)>
module attributes {stable_mosaic.version = 14 : i64} {
  func.func @scatter_kernel(%arg0: i32, %arg1: i32, %arg2: memref<10000x128xf32, #tpu.memory_space<hbm>>, %arg3: memref<32x80x128xi32, #tpu.memory_space<hbm>>, %arg4: memref<32x80x128xi32, #tpu.memory_space<hbm>>, %arg5: memref<640x128xf32, #tpu.memory_space<hbm>>, %arg6: memref<2x10240x128xf32, #tpu.memory_space<hbm>>, %arg7: memref<80x128xi32, #tpu.memory_space<vmem>>, %arg8: memref<1x128xi32, #tpu.memory_space<vmem>>, %arg9: memref<1x128xi32, #tpu.memory_space<vmem>>, %arg10: memref<128x128xf32, #tpu.memory_space<vmem>>, %arg11: memref<128x128xf32, #tpu.memory_space<vmem>>, %arg12: memref<10240x128xf32, #tpu.memory_space<vmem_shared>>, %arg13: memref<!tpu.dma_semaphore, #tpu.memory_space<semaphore_mem>>, %arg14: memref<!tpu.dma_semaphore, #tpu.memory_space<semaphore_mem>>, %arg15: memref<!tpu.dma_semaphore, #tpu.memory_space<semaphore_mem>>, %arg16: memref<!tpu.dma_semaphore, #tpu.memory_space<semaphore_mem>>, %arg17: memref<!tpu.dma_semaphore, #tpu.memory_space<semaphore_mem>>, %arg18: memref<!tpu.dma_semaphore, #tpu.memory_space<semaphore_mem>>) attributes {dimension_semantics = [#tpu.dimension_semantics<core_parallel>, #tpu.dimension_semantics<subcore_parallel>], iteration_bounds = array<i64: 2, 16>, scalar_prefetch = 0 : i64, scratch_operands = 12 : i64, tpu.core_type = #tpu.core_type<sc_vector_subcore>, window_params = [{transform_indices = #map}, {transform_indices = #map1}, {transform_indices = #map1}, {transform_indices = #map}, {transform_indices = #map1}]} {
    %mul3A = arith.constant 16 : i32
    %mul3A_0 = arith.muli %arg0, %mul3A : i32
    %add3A = arith.addi %mul3A_0, %arg1 : i32
    %mul3A_1 = arith.constant 640 : i32
    %mul3A_2 = arith.muli %arg1, %mul3A_1 : i32
    "tpu.region"() ({
      %run_scoped3A = tpu.sem_alloc : memref<!tpu.dma_semaphore, #tpu.memory_space<semaphore_mem>>
      %dma_start3A = arith.constant 0 : i32
      %dma_start3A_9 = tpu.memref_slice %arg12[%mul3A_2, %dma_start3A] : memref<10240x128xf32, #tpu.memory_space<vmem_shared>> -> memref<640x128xf32, #tpu.memory_space<vmem_shared>>
      tpu.enqueue_dma source(%arg5 : memref<640x128xf32, #tpu.memory_space<hbm>>) target(%dma_start3A_9 : memref<640x128xf32, #tpu.memory_space<vmem_shared>>) target_semaphore(%run_scoped3A : memref<!tpu.dma_semaphore, #tpu.memory_space<semaphore_mem>>)
      %dma_wait3A = arith.constant 0 : i32
      %dma_wait3A_10 = tpu.memref_slice %arg12[%mul3A_2, %dma_wait3A] : memref<10240x128xf32, #tpu.memory_space<vmem_shared>> -> memref<640x128xf32, #tpu.memory_space<vmem_shared>>
      tpu.wait_dma2 semaphore(%run_scoped3A : memref<!tpu.dma_semaphore, #tpu.memory_space<semaphore_mem>>) src(%arg5 : memref<640x128xf32, #tpu.memory_space<hbm>>) dst(%dma_wait3A_10 : memref<640x128xf32, #tpu.memory_space<vmem_shared>>)
      tpu.yield
    }) : () -> ()
    "tpu.region"() ({
      %run_scoped3A = tpu.sem_alloc : memref<!tpu.dma_semaphore, #tpu.memory_space<semaphore_mem>>
      %dma_start3A = arith.constant 0 : i32
      %dma_start3A_9 = arith.constant 0 : i32
      %dma_start3A_10 = tpu.memref_slice %arg3[%add3A, %dma_start3A, %dma_start3A_9] : memref<32x80x128xi32, #tpu.memory_space<hbm>> -> memref<1x80x128xi32, #tpu.memory_space<hbm>>
      %dma_start3A_11 = tpu.memref_squeeze %dma_start3A_10 : memref<1x80x128xi32, #tpu.memory_space<hbm>> -> memref<80x128xi32, #tpu.memory_space<hbm>>
      %dma_start3A_12 = arith.constant 0 : i32
      %dma_start3A_13 = arith.constant 0 : i32
      %dma_start3A_14 = tpu.memref_slice %arg3[%add3A, %dma_start3A_12, %dma_start3A_13] : memref<32x80x128xi32, #tpu.memory_space<hbm>> -> memref<1x80x128xi32, #tpu.memory_space<hbm>>
      %dma_start3A_15 = tpu.memref_squeeze %dma_start3A_14 : memref<1x80x128xi32, #tpu.memory_space<hbm>> -> memref<80x128xi32, #tpu.memory_space<hbm>>
      tpu.enqueue_dma source(%dma_start3A_15 : memref<80x128xi32, #tpu.memory_space<hbm>>) target(%arg7 : memref<80x128xi32, #tpu.memory_space<vmem>>) target_semaphore(%run_scoped3A : memref<!tpu.dma_semaphore, #tpu.memory_space<semaphore_mem>>)
      %dma_wait3A = arith.constant 0 : i32
      %dma_wait3A_16 = arith.constant 0 : i32
      %dma_wait3A_17 = tpu.memref_slice %arg3[%add3A, %dma_wait3A, %dma_wait3A_16] : memref<32x80x128xi32, #tpu.memory_space<hbm>> -> memref<1x80x128xi32, #tpu.memory_space<hbm>>
      %dma_wait3A_18 = tpu.memref_squeeze %dma_wait3A_17 : memref<1x80x128xi32, #tpu.memory_space<hbm>> -> memref<80x128xi32, #tpu.memory_space<hbm>>
      %dma_wait3A_19 = arith.constant 0 : i32
      %dma_wait3A_20 = arith.constant 0 : i32
      %dma_wait3A_21 = tpu.memref_slice %arg3[%add3A, %dma_wait3A_19, %dma_wait3A_20] : memref<32x80x128xi32, #tpu.memory_space<hbm>> -> memref<1x80x128xi32, #tpu.memory_space<hbm>>
      %dma_wait3A_22 = tpu.memref_squeeze %dma_wait3A_21 : memref<1x80x128xi32, #tpu.memory_space<hbm>> -> memref<80x128xi32, #tpu.memory_space<hbm>>
      tpu.wait_dma2 semaphore(%run_scoped3A : memref<!tpu.dma_semaphore, #tpu.memory_space<semaphore_mem>>) src(%dma_wait3A_22 : memref<80x128xi32, #tpu.memory_space<hbm>>) dst(%arg7 : memref<80x128xi32, #tpu.memory_space<vmem>>)
      tpu.yield
    }) : () -> ()
    %barrier3A = arith.constant 0 : index
    tpu.barrier barrier_id(%barrier3A)
    %scan3A = arith.constant 0 : i32
    %scan3A_3 = arith.constant 0 : i32
    %scan3A_4 = arith.constant 40 : i32
    %scan3A_5 = arith.addi %scan3A_3, %scan3A_4 : i32
    %scan3A_6 = arith.constant 1 : i32
    scf.for %scan3A_9 = %scan3A_3 to %scan3A_5 step %scan3A_6  : i32 {
      %mul3A_10 = arith.constant 2 : i32
      %mul3A_11 = arith.muli %mul3A_10, %scan3A_9 : i32
      %dma_start3A = arith.constant 0 : i32
      %dma_start3A_12 = tpu.memref_slice %arg4[%add3A, %mul3A_11, %dma_start3A] : memref<32x80x128xi32, #tpu.memory_space<hbm>> -> memref<1x1x128xi32, #tpu.memory_space<hbm>>
      %dma_start3A_13 = tpu.memref_squeeze %dma_start3A_12 : memref<1x1x128xi32, #tpu.memory_space<hbm>> -> memref<1x128xi32, #tpu.memory_space<hbm>>
      %dma_start3A_14 = arith.constant 0 : i32
      %dma_start3A_15 = tpu.memref_slice %arg4[%add3A, %mul3A_11, %dma_start3A_14] : memref<32x80x128xi32, #tpu.memory_space<hbm>> -> memref<1x1x128xi32, #tpu.memory_space<hbm>>
      %dma_start3A_16 = tpu.memref_squeeze %dma_start3A_15 : memref<1x1x128xi32, #tpu.memory_space<hbm>> -> memref<1x128xi32, #tpu.memory_space<hbm>>
      tpu.enqueue_dma source(%dma_start3A_16 : memref<1x128xi32, #tpu.memory_space<hbm>>) target(%arg8 : memref<1x128xi32, #tpu.memory_space<vmem>>) target_semaphore(%arg15 : memref<!tpu.dma_semaphore, #tpu.memory_space<semaphore_mem>>)
      %add3A_17 = arith.constant 1 : i32
      %add3A_18 = arith.addi %mul3A_11, %add3A_17 : i32
      %dma_start3A_19 = arith.constant 0 : i32
      %dma_start3A_20 = tpu.memref_slice %arg4[%add3A, %add3A_18, %dma_start3A_19] : memref<32x80x128xi32, #tpu.memory_space<hbm>> -> memref<1x1x128xi32, #tpu.memory_space<hbm>>
      %dma_start3A_21 = tpu.memref_squeeze %dma_start3A_20 : memref<1x1x128xi32, #tpu.memory_space<hbm>> -> memref<1x128xi32, #tpu.memory_space<hbm>>
      %dma_start3A_22 = arith.constant 0 : i32
      %dma_start3A_23 = tpu.memref_slice %arg4[%add3A, %add3A_18, %dma_start3A_22] : memref<32x80x128xi32, #tpu.memory_space<hbm>> -> memref<1x1x128xi32, #tpu.memory_space<hbm>>
      %dma_start3A_24 = tpu.memref_squeeze %dma_start3A_23 : memref<1x1x128xi32, #tpu.memory_space<hbm>> -> memref<1x128xi32, #tpu.memory_space<hbm>>
      tpu.enqueue_dma source(%dma_start3A_24 : memref<1x128xi32, #tpu.memory_space<hbm>>) target(%arg9 : memref<1x128xi32, #tpu.memory_space<vmem>>) target_semaphore(%arg16 : memref<!tpu.dma_semaphore, #tpu.memory_space<semaphore_mem>>)
      %dma_start3A_25 = arith.constant 0 : i32
      %dma_start3A_26 = tpu.memref_slice %arg7[%mul3A_11, %dma_start3A_25] : memref<80x128xi32, #tpu.memory_space<vmem>> -> memref<1x128xi32, #tpu.memory_space<vmem>>
      %dma_start3A_27 = tpu.memref_squeeze %dma_start3A_26 : memref<1x128xi32, #tpu.memory_space<vmem>> -> memref<128xi32, #tpu.memory_space<vmem>>
      %dma_start3A_28 = arith.constant 0 : i32
      %dma_start3A_29 = arith.constant 0 : i32
      %dma_start3A_30 = tpu.memref_slice %arg2[%dma_start3A_28, %dma_start3A_29] : memref<10000x128xf32, #tpu.memory_space<hbm>> -> memref<10000x128xf32, #tpu.memory_space<hbm>>
      tpu.enqueue_indirect_dma source(%dma_start3A_30 : memref<10000x128xf32, #tpu.memory_space<hbm>>) target(%arg10 : memref<128x128xf32, #tpu.memory_space<vmem>>) offsets(%dma_start3A_27 : memref<128xi32, #tpu.memory_space<vmem>>) semaphore(%arg13 : memref<!tpu.dma_semaphore, #tpu.memory_space<semaphore_mem>>)
      %add3A_31 = arith.constant 1 : i32
      %add3A_32 = arith.addi %mul3A_11, %add3A_31 : i32
      %dma_start3A_33 = arith.constant 0 : i32
      %dma_start3A_34 = tpu.memref_slice %arg7[%add3A_32, %dma_start3A_33] : memref<80x128xi32, #tpu.memory_space<vmem>> -> memref<1x128xi32, #tpu.memory_space<vmem>>
      %dma_start3A_35 = tpu.memref_squeeze %dma_start3A_34 : memref<1x128xi32, #tpu.memory_space<vmem>> -> memref<128xi32, #tpu.memory_space<vmem>>
      %dma_start3A_36 = arith.constant 0 : i32
      %dma_start3A_37 = arith.constant 0 : i32
      %dma_start3A_38 = tpu.memref_slice %arg2[%dma_start3A_36, %dma_start3A_37] : memref<10000x128xf32, #tpu.memory_space<hbm>> -> memref<10000x128xf32, #tpu.memory_space<hbm>>
      tpu.enqueue_indirect_dma source(%dma_start3A_38 : memref<10000x128xf32, #tpu.memory_space<hbm>>) target(%arg11 : memref<128x128xf32, #tpu.memory_space<vmem>>) offsets(%dma_start3A_35 : memref<128xi32, #tpu.memory_space<vmem>>) semaphore(%arg14 : memref<!tpu.dma_semaphore, #tpu.memory_space<semaphore_mem>>)
      %dma_wait3A = arith.constant 0 : i32
      %dma_wait3A_39 = tpu.memref_slice %arg7[%mul3A_11, %dma_wait3A] : memref<80x128xi32, #tpu.memory_space<vmem>> -> memref<1x128xi32, #tpu.memory_space<vmem>>
      %dma_wait3A_40 = tpu.memref_squeeze %dma_wait3A_39 : memref<1x128xi32, #tpu.memory_space<vmem>> -> memref<128xi32, #tpu.memory_space<vmem>>
      %dma_wait3A_41 = arith.constant 0 : i32
      %dma_wait3A_42 = arith.constant 0 : i32
      %dma_wait3A_43 = tpu.memref_slice %arg2[%dma_wait3A_41, %dma_wait3A_42] : memref<10000x128xf32, #tpu.memory_space<hbm>> -> memref<10000x128xf32, #tpu.memory_space<hbm>>
      tpu.wait_indirect_dma semaphore(%arg13 : memref<!tpu.dma_semaphore, #tpu.memory_space<semaphore_mem>>) src(%dma_wait3A_43 : memref<10000x128xf32, #tpu.memory_space<hbm>>) dst(%arg10 : memref<128x128xf32, #tpu.memory_space<vmem>>)
      %add3A_44 = arith.constant 1 : i32
      %add3A_45 = arith.addi %mul3A_11, %add3A_44 : i32
      %dma_wait3A_46 = arith.constant 0 : i32
      %dma_wait3A_47 = tpu.memref_slice %arg7[%add3A_45, %dma_wait3A_46] : memref<80x128xi32, #tpu.memory_space<vmem>> -> memref<1x128xi32, #tpu.memory_space<vmem>>
      %dma_wait3A_48 = tpu.memref_squeeze %dma_wait3A_47 : memref<1x128xi32, #tpu.memory_space<vmem>> -> memref<128xi32, #tpu.memory_space<vmem>>
      %dma_wait3A_49 = arith.constant 0 : i32
      %dma_wait3A_50 = arith.constant 0 : i32
      %dma_wait3A_51 = tpu.memref_slice %arg2[%dma_wait3A_49, %dma_wait3A_50] : memref<10000x128xf32, #tpu.memory_space<hbm>> -> memref<10000x128xf32, #tpu.memory_space<hbm>>
      tpu.wait_indirect_dma semaphore(%arg14 : memref<!tpu.dma_semaphore, #tpu.memory_space<semaphore_mem>>) src(%dma_wait3A_51 : memref<10000x128xf32, #tpu.memory_space<hbm>>) dst(%arg11 : memref<128x128xf32, #tpu.memory_space<vmem>>)
      %dma_wait3A_52 = arith.constant 0 : i32
      %dma_wait3A_53 = arith.constant 0 : i32
      %dma_wait3A_54 = arith.constant 0 : i32
      %dma_wait3A_55 = tpu.memref_slice %arg4[%dma_wait3A_52, %dma_wait3A_53, %dma_wait3A_54] : memref<32x80x128xi32, #tpu.memory_space<hbm>> -> memref<1x1x128xi32, #tpu.memory_space<hbm>>
      %dma_wait3A_56 = tpu.memref_squeeze %dma_wait3A_55 : memref<1x1x128xi32, #tpu.memory_space<hbm>> -> memref<1x128xi32, #tpu.memory_space<hbm>>
      %dma_wait3A_57 = arith.constant 0 : i32
      %dma_wait3A_58 = arith.constant 0 : i32
      %dma_wait3A_59 = tpu.memref_slice %arg4[%dma_wait3A_52, %dma_wait3A_57, %dma_wait3A_58] : memref<32x80x128xi32, #tpu.memory_space<hbm>> -> memref<1x1x128xi32, #tpu.memory_space<hbm>>
      %dma_wait3A_60 = tpu.memref_squeeze %dma_wait3A_59 : memref<1x1x128xi32, #tpu.memory_space<hbm>> -> memref<1x128xi32, #tpu.memory_space<hbm>>
      tpu.wait_dma2 semaphore(%arg15 : memref<!tpu.dma_semaphore, #tpu.memory_space<semaphore_mem>>) src(%dma_wait3A_60 : memref<1x128xi32, #tpu.memory_space<hbm>>) dst(%arg8 : memref<1x128xi32, #tpu.memory_space<vmem>>)
      %dma_wait3A_61 = arith.constant 0 : i32
      %dma_wait3A_62 = arith.constant 0 : i32
      %dma_wait3A_63 = arith.constant 0 : i32
      %dma_wait3A_64 = tpu.memref_slice %arg4[%dma_wait3A_61, %dma_wait3A_62, %dma_wait3A_63] : memref<32x80x128xi32, #tpu.memory_space<hbm>> -> memref<1x1x128xi32, #tpu.memory_space<hbm>>
      %dma_wait3A_65 = tpu.memref_squeeze %dma_wait3A_64 : memref<1x1x128xi32, #tpu.memory_space<hbm>> -> memref<1x128xi32, #tpu.memory_space<hbm>>
      %dma_wait3A_66 = arith.constant 0 : i32
      %dma_wait3A_67 = arith.constant 0 : i32
      %dma_wait3A_68 = tpu.memref_slice %arg4[%dma_wait3A_61, %dma_wait3A_66, %dma_wait3A_67] : memref<32x80x128xi32, #tpu.memory_space<hbm>> -> memref<1x1x128xi32, #tpu.memory_space<hbm>>
      %dma_wait3A_69 = tpu.memref_squeeze %dma_wait3A_68 : memref<1x1x128xi32, #tpu.memory_space<hbm>> -> memref<1x128xi32, #tpu.memory_space<hbm>>
      tpu.wait_dma2 semaphore(%arg16 : memref<!tpu.dma_semaphore, #tpu.memory_space<semaphore_mem>>) src(%dma_wait3A_69 : memref<1x128xi32, #tpu.memory_space<hbm>>) dst(%arg9 : memref<1x128xi32, #tpu.memory_space<vmem>>)
      %dma_start3A_70 = arith.constant 0 : i32
      %dma_start3A_71 = arith.constant 0 : i32
      %dma_start3A_72 = tpu.memref_slice %arg8[%dma_start3A_70, %dma_start3A_71] : memref<1x128xi32, #tpu.memory_space<vmem>> -> memref<1x128xi32, #tpu.memory_space<vmem>>
      %dma_start3A_73 = tpu.memref_squeeze %dma_start3A_72 : memref<1x128xi32, #tpu.memory_space<vmem>> -> memref<128xi32, #tpu.memory_space<vmem>>
      %dma_start3A_74 = arith.constant 0 : i32
      %dma_start3A_75 = arith.constant 0 : i32
      %dma_start3A_76 = tpu.memref_slice %arg12[%dma_start3A_74, %dma_start3A_75] : memref<10240x128xf32, #tpu.memory_space<vmem_shared>> -> memref<10240x128xf32, #tpu.memory_space<vmem_shared>>
      tpu.enqueue_indirect_dma source(%arg10 : memref<128x128xf32, #tpu.memory_space<vmem>>) target(%dma_start3A_76 : memref<10240x128xf32, #tpu.memory_space<vmem_shared>>) offsets(%dma_start3A_73 : memref<128xi32, #tpu.memory_space<vmem>>) semaphore(%arg17 : memref<!tpu.dma_semaphore, #tpu.memory_space<semaphore_mem>>) {add = true}
      %dma_start3A_77 = arith.constant 0 : i32
      %dma_start3A_78 = arith.constant 0 : i32
      %dma_start3A_79 = tpu.memref_slice %arg9[%dma_start3A_77, %dma_start3A_78] : memref<1x128xi32, #tpu.memory_space<vmem>> -> memref<1x128xi32, #tpu.memory_space<vmem>>
      %dma_start3A_80 = tpu.memref_squeeze %dma_start3A_79 : memref<1x128xi32, #tpu.memory_space<vmem>> -> memref<128xi32, #tpu.memory_space<vmem>>
      %dma_start3A_81 = arith.constant 0 : i32
      %dma_start3A_82 = arith.constant 0 : i32
      %dma_start3A_83 = tpu.memref_slice %arg12[%dma_start3A_81, %dma_start3A_82] : memref<10240x128xf32, #tpu.memory_space<vmem_shared>> -> memref<10240x128xf32, #tpu.memory_space<vmem_shared>>
      tpu.enqueue_indirect_dma source(%arg11 : memref<128x128xf32, #tpu.memory_space<vmem>>) target(%dma_start3A_83 : memref<10240x128xf32, #tpu.memory_space<vmem_shared>>) offsets(%dma_start3A_80 : memref<128xi32, #tpu.memory_space<vmem>>) semaphore(%arg18 : memref<!tpu.dma_semaphore, #tpu.memory_space<semaphore_mem>>) {add = true}
      %dma_wait3A_84 = arith.constant 0 : i32
      %dma_wait3A_85 = arith.constant 0 : i32
      %dma_wait3A_86 = tpu.memref_slice %arg8[%dma_wait3A_84, %dma_wait3A_85] : memref<1x128xi32, #tpu.memory_space<vmem>> -> memref<1x128xi32, #tpu.memory_space<vmem>>
      %dma_wait3A_87 = tpu.memref_squeeze %dma_wait3A_86 : memref<1x128xi32, #tpu.memory_space<vmem>> -> memref<128xi32, #tpu.memory_space<vmem>>
      %dma_wait3A_88 = arith.constant 0 : i32
      %dma_wait3A_89 = arith.constant 0 : i32
      %dma_wait3A_90 = tpu.memref_slice %arg12[%dma_wait3A_88, %dma_wait3A_89] : memref<10240x128xf32, #tpu.memory_space<vmem_shared>> -> memref<10240x128xf32, #tpu.memory_space<vmem_shared>>
      tpu.wait_indirect_dma semaphore(%arg17 : memref<!tpu.dma_semaphore, #tpu.memory_space<semaphore_mem>>) src(%arg10 : memref<128x128xf32, #tpu.memory_space<vmem>>) dst(%dma_wait3A_90 : memref<10240x128xf32, #tpu.memory_space<vmem_shared>>)
      %dma_wait3A_91 = arith.constant 0 : i32
      %dma_wait3A_92 = arith.constant 0 : i32
      %dma_wait3A_93 = tpu.memref_slice %arg9[%dma_wait3A_91, %dma_wait3A_92] : memref<1x128xi32, #tpu.memory_space<vmem>> -> memref<1x128xi32, #tpu.memory_space<vmem>>
      %dma_wait3A_94 = tpu.memref_squeeze %dma_wait3A_93 : memref<1x128xi32, #tpu.memory_space<vmem>> -> memref<128xi32, #tpu.memory_space<vmem>>
      %dma_wait3A_95 = arith.constant 0 : i32
      %dma_wait3A_96 = arith.constant 0 : i32
      %dma_wait3A_97 = tpu.memref_slice %arg12[%dma_wait3A_95, %dma_wait3A_96] : memref<10240x128xf32, #tpu.memory_space<vmem_shared>> -> memref<10240x128xf32, #tpu.memory_space<vmem_shared>>
      tpu.wait_indirect_dma semaphore(%arg18 : memref<!tpu.dma_semaphore, #tpu.memory_space<semaphore_mem>>) src(%arg11 : memref<128x128xf32, #tpu.memory_space<vmem>>) dst(%dma_wait3A_97 : memref<10240x128xf32, #tpu.memory_space<vmem_shared>>)
    }
    %scan3A_7 = arith.constant 40 : i32
    %barrier3A_8 = arith.constant 0 : index
    tpu.barrier barrier_id(%barrier3A_8)
    "tpu.region"() ({
      %run_scoped3A = tpu.sem_alloc : memref<!tpu.dma_semaphore, #tpu.memory_space<semaphore_mem>>
      %dma_start3A = arith.constant 0 : i32
      %dma_start3A_9 = tpu.memref_slice %arg6[%arg0, %mul3A_2, %dma_start3A] : memref<2x10240x128xf32, #tpu.memory_space<hbm>> -> memref<1x640x128xf32, #tpu.memory_space<hbm>>
      %dma_start3A_10 = tpu.memref_squeeze %dma_start3A_9 : memref<1x640x128xf32, #tpu.memory_space<hbm>> -> memref<640x128xf32, #tpu.memory_space<hbm>>
      %dma_start3A_11 = arith.constant 0 : i32
      %dma_start3A_12 = tpu.memref_slice %arg12[%mul3A_2, %dma_start3A_11] : memref<10240x128xf32, #tpu.memory_space<vmem_shared>> -> memref<640x128xf32, #tpu.memory_space<vmem_shared>>
      tpu.enqueue_dma source(%dma_start3A_12 : memref<640x128xf32, #tpu.memory_space<vmem_shared>>) target(%dma_start3A_10 : memref<640x128xf32, #tpu.memory_space<hbm>>) target_semaphore(%run_scoped3A : memref<!tpu.dma_semaphore, #tpu.memory_space<semaphore_mem>>)
      %dma_wait3A = arith.constant 0 : i32
      %dma_wait3A_13 = tpu.memref_slice %arg6[%arg0, %mul3A_2, %dma_wait3A] : memref<2x10240x128xf32, #tpu.memory_space<hbm>> -> memref<1x640x128xf32, #tpu.memory_space<hbm>>
      %dma_wait3A_14 = tpu.memref_squeeze %dma_wait3A_13 : memref<1x640x128xf32, #tpu.memory_space<hbm>> -> memref<640x128xf32, #tpu.memory_space<hbm>>
      %dma_wait3A_15 = arith.constant 0 : i32
      %dma_wait3A_16 = tpu.memref_slice %arg12[%mul3A_2, %dma_wait3A_15] : memref<10240x128xf32, #tpu.memory_space<vmem_shared>> -> memref<640x128xf32, #tpu.memory_space<vmem_shared>>
      tpu.wait_dma2 semaphore(%run_scoped3A : memref<!tpu.dma_semaphore, #tpu.memory_space<semaphore_mem>>) src(%dma_wait3A_16 : memref<640x128xf32, #tpu.memory_space<vmem_shared>>) dst(%dma_wait3A_14 : memref<640x128xf32, #tpu.memory_space<hbm>>)
      tpu.yield
    }) : () -> ()
    return
  }
}

module attributes {stable_mosaic.version = 14 : i64} {
  func.func @body(%arg0: i32, %arg1: memref<2x2000x128xf32, #tpu.memory_space<vmem>>, %arg2: memref<2000x128xf32, #tpu.memory_space<vmem>>, %arg3: memref<2x2000x128xf32, #tpu.memory_space<vmem>>, %arg4: memref<1x128xf32, #tpu.memory_space<vmem>>, %arg5: memref<128x128xf32, #tpu.memory_space<vmem>>, %arg6: memref<2000x128xf32, #tpu.memory_space<vmem>>) attributes {dimension_semantics = [#tpu.dimension_semantics<arbitrary>], iteration_bounds = array<i64: 5>, scalar_prefetch = 0 : i64, scratch_operands = 0 : i64, tpu.core_type = #tpu.core_type<tc>, window_params = [{transform_indices = @transform_0, window_bounds = array<i64: 2, 2000, 128>}, {transform_indices = @transform_1, window_bounds = array<i64: 2000, 128>}, {transform_indices = @transform_2, window_bounds = array<i64: 2, 2000, 128>}, {pipeline_mode = #tpu.pipeline_mode<synchronous>, transform_indices = @transform_3, window_bounds = array<i64: 1, 128>}, {pipeline_mode = #tpu.pipeline_mode<synchronous>, transform_indices = @transform_4, window_bounds = array<i64: 128, 128>}, {transform_indices = @transform_5, window_bounds = array<i64: 2000, 128>}]} {
    %get3A = arith.constant 0 : index
    %get3A_0 = arith.constant 0 : index
    %get3A_1 = arith.constant 0 : index
    %get3A_2 = vector.load %arg3[%get3A, %get3A_0, %get3A_1] : memref<2x2000x128xf32, #tpu.memory_space<vmem>>, vector<1x2000x128xf32>
    %get3A_3 = vector.shape_cast %get3A_2 : vector<1x2000x128xf32> to vector<2000x128xf32>
    %get3A_4 = arith.constant 1 : index
    %get3A_5 = arith.constant 0 : index
    %get3A_6 = arith.constant 0 : index
    %get3A_7 = vector.load %arg3[%get3A_4, %get3A_5, %get3A_6] : memref<2x2000x128xf32, #tpu.memory_space<vmem>>, vector<1x2000x128xf32>
    %get3A_8 = vector.shape_cast %get3A_7 : vector<1x2000x128xf32> to vector<2000x128xf32>
    %add3A = arith.addf %get3A_3, %get3A_8 : vector<2000x128xf32>
    %slice3A = vector.extract_strided_slice %add3A {offsets = [0, 0], sizes = [2000, 1], strides = [1, 1]} : vector<2000x128xf32> to vector<2000x1xf32>
    %add3A_9 = arith.constant 1.000000e+00 : f32
    %add3A_10 = vector.broadcast %add3A_9 : f32 to vector<2000x1xf32>
    %add3A_11 = arith.addf %slice3A, %add3A_10 : vector<2000x1xf32>
    %rsqrt3A = math.rsqrt %add3A_11 : vector<2000x1xf32>
    %get3A_12 = arith.constant 0 : index
    %get3A_13 = arith.constant 0 : index
    %get3A_14 = arith.constant 0 : index
    %get3A_15 = vector.load %arg1[%get3A_12, %get3A_13, %get3A_14] : memref<2x2000x128xf32, #tpu.memory_space<vmem>>, vector<1x2000x128xf32>
    %get3A_16 = vector.shape_cast %get3A_15 : vector<1x2000x128xf32> to vector<2000x128xf32>
    %get3A_17 = arith.constant 1 : index
    %get3A_18 = arith.constant 0 : index
    %get3A_19 = arith.constant 0 : index
    %get3A_20 = vector.load %arg1[%get3A_17, %get3A_18, %get3A_19] : memref<2x2000x128xf32, #tpu.memory_space<vmem>>, vector<1x2000x128xf32>
    %get3A_21 = vector.shape_cast %get3A_20 : vector<1x2000x128xf32> to vector<2000x128xf32>
    %add3A_22 = arith.addf %get3A_16, %get3A_21 : vector<2000x128xf32>
    %get3A_23 = arith.constant 0 : index
    %get3A_24 = arith.constant 0 : index
    %get3A_25 = vector.load %arg2[%get3A_23, %get3A_24] : memref<2000x128xf32, #tpu.memory_space<vmem>>, vector<2000x128xf32>
    %add3A_26 = arith.addf %add3A_22, %get3A_25 : vector<2000x128xf32>
    %mul3A = vector.broadcast %rsqrt3A : vector<2000x1xf32> to vector<2000x128xf32>
    %mul3A_27 = arith.mulf %mul3A, %add3A_26 : vector<2000x128xf32>
    %get3A_28 = arith.constant 0 : index
    %get3A_29 = arith.constant 0 : index
    %get3A_30 = vector.load %arg4[%get3A_28, %get3A_29] : memref<1x128xf32, #tpu.memory_space<vmem>>, vector<1x128xf32>
    %add3A_31 = vector.broadcast %get3A_30 : vector<1x128xf32> to vector<2000x128xf32>
    %add3A_32 = arith.addf %mul3A_27, %add3A_31 : vector<2000x128xf32>
    %max3A = arith.constant 0.000000e+00 : f32
    %max3A_33 = vector.broadcast %max3A : f32 to vector<2000x128xf32>
    %max3A_34 = arith.maximumf %add3A_32, %max3A_33 : vector<2000x128xf32>
    %get3A_35 = arith.constant 0 : index
    %get3A_36 = arith.constant 0 : index
    %get3A_37 = vector.load %arg5[%get3A_35, %get3A_36] : memref<128x128xf32, #tpu.memory_space<vmem>>, vector<128x128xf32>
    %dot_general3A = arith.constant dense<0.000000e+00> : vector<2000x128xf32>
    %dot_general3A_38 = tpu.matmul %max3A_34, %get3A_37, %dot_general3A {dimension_numbers = #tpu.dot_dimension_numbers<[1], [0], [0], [1], [0, 0, 1, 1], [], []>, transpose_lhs_hint = false} : vector<2000x128xf32>, vector<128x128xf32>, vector<2000x128xf32> -> vector<2000x128xf32>
    %mul3A_39 = vector.broadcast %rsqrt3A : vector<2000x1xf32> to vector<2000x128xf32>
    %mul3A_40 = arith.mulf %mul3A_39, %dot_general3A_38 : vector<2000x128xf32>
    %swap3A = arith.constant 0 : index
    %swap3A_41 = arith.constant 0 : index
    %swap3A_42 = vector.load %arg6[%swap3A, %swap3A_41] : memref<2000x128xf32, #tpu.memory_space<vmem>>, vector<2000x128xf32>
    tpu.vector_store %arg6[%swap3A, %swap3A_41], %mul3A_40 {strides = array<i32>} : memref<2000x128xf32, #tpu.memory_space<vmem>>, vector<2000x128xf32>,
    return
  }
  func.func @transform_0(%arg0: i32) -> (i32, i32, i32) {
    %c0_i32 = arith.constant 0 : i32
    %c0_i32_0 = arith.constant 0 : i32
    %c0_i32_1 = arith.constant 0 : i32
    return %c0_i32, %arg0, %c0_i32_0 : i32, i32, i32
  }
  func.func @transform_1(%arg0: i32) -> (i32, i32) {
    %c0_i32 = arith.constant 0 : i32
    %c0_i32_0 = arith.constant 0 : i32
    return %arg0, %c0_i32 : i32, i32
  }
  func.func @transform_2(%arg0: i32) -> (i32, i32, i32) {
    %c0_i32 = arith.constant 0 : i32
    %c0_i32_0 = arith.constant 0 : i32
    %c0_i32_1 = arith.constant 0 : i32
    return %c0_i32, %arg0, %c0_i32_0 : i32, i32, i32
  }
  func.func @transform_3(%arg0: i32) -> (i32, i32) {
    %c0_i32 = arith.constant 0 : i32
    %c0_i32_0 = arith.constant 0 : i32
    %c0_i32_1 = arith.constant 0 : i32
    return %c0_i32, %c0_i32_0 : i32, i32
  }
  func.func @transform_4(%arg0: i32) -> (i32, i32) {
    %c0_i32 = arith.constant 0 : i32
    %c0_i32_0 = arith.constant 0 : i32
    %c0_i32_1 = arith.constant 0 : i32
    return %c0_i32, %c0_i32_0 : i32, i32
  }
  func.func @transform_5(%arg0: i32) -> (i32, i32) {
    %c0_i32 = arith.constant 0 : i32
    %c0_i32_0 = arith.constant 0 : i32
    return %arg0, %c0_i32 : i32, i32
  }
}

module attributes {stable_mosaic.version = 14 : i64} {
  func.func @body(%arg0: i32, %arg1: memref<2000x128xf32, #tpu.memory_space<vmem>>, %arg2: memref<128x128xf32, #tpu.memory_space<vmem>>, %arg3: memref<2x2000x128xf32, #tpu.memory_space<vmem>>, %arg4: memref<2000x128xf32, #tpu.memory_space<vmem>>) attributes {dimension_semantics = [#tpu.dimension_semantics<arbitrary>], iteration_bounds = array<i64: 5>, scalar_prefetch = 0 : i64, scratch_operands = 0 : i64, tpu.core_type = #tpu.core_type<tc>, window_params = [{transform_indices = @transform_0, window_bounds = array<i64: 2000, 128>}, {pipeline_mode = #tpu.pipeline_mode<synchronous>, transform_indices = @transform_1, window_bounds = array<i64: 128, 128>}, {transform_indices = @transform_2, window_bounds = array<i64: 2, 2000, 128>}, {transform_indices = @transform_3, window_bounds = array<i64: 2000, 128>}]} {
    %get3A = arith.constant 0 : index
    %get3A_0 = arith.constant 0 : index
    %get3A_1 = arith.constant 0 : index
    %get3A_2 = vector.load %arg3[%get3A, %get3A_0, %get3A_1] : memref<2x2000x128xf32, #tpu.memory_space<vmem>>, vector<1x2000x128xf32>
    %get3A_3 = vector.shape_cast %get3A_2 : vector<1x2000x128xf32> to vector<2000x128xf32>
    %get3A_4 = arith.constant 1 : index
    %get3A_5 = arith.constant 0 : index
    %get3A_6 = arith.constant 0 : index
    %get3A_7 = vector.load %arg3[%get3A_4, %get3A_5, %get3A_6] : memref<2x2000x128xf32, #tpu.memory_space<vmem>>, vector<1x2000x128xf32>
    %get3A_8 = vector.shape_cast %get3A_7 : vector<1x2000x128xf32> to vector<2000x128xf32>
    %add3A = arith.addf %get3A_3, %get3A_8 : vector<2000x128xf32>
    %slice3A = vector.extract_strided_slice %add3A {offsets = [0, 0], sizes = [2000, 1], strides = [1, 1]} : vector<2000x128xf32> to vector<2000x1xf32>
    %add3A_9 = arith.constant 1.000000e+00 : f32
    %add3A_10 = vector.broadcast %add3A_9 : f32 to vector<2000x1xf32>
    %add3A_11 = arith.addf %slice3A, %add3A_10 : vector<2000x1xf32>
    %rsqrt3A = math.rsqrt %add3A_11 : vector<2000x1xf32>
    %get3A_12 = arith.constant 0 : index
    %get3A_13 = arith.constant 0 : index
    %get3A_14 = vector.load %arg1[%get3A_12, %get3A_13] : memref<2000x128xf32, #tpu.memory_space<vmem>>, vector<2000x128xf32>
    %get3A_15 = arith.constant 0 : index
    %get3A_16 = arith.constant 0 : index
    %get3A_17 = vector.load %arg2[%get3A_15, %get3A_16] : memref<128x128xf32, #tpu.memory_space<vmem>>, vector<128x128xf32>
    %dot_general3A = arith.constant dense<0.000000e+00> : vector<2000x128xf32>
    %dot_general3A_18 = tpu.matmul %get3A_14, %get3A_17, %dot_general3A {dimension_numbers = #tpu.dot_dimension_numbers<[1], [0], [0], [1], [0, 0, 1, 1], [], []>, transpose_lhs_hint = false} : vector<2000x128xf32>, vector<128x128xf32>, vector<2000x128xf32> -> vector<2000x128xf32>
    %mul3A = vector.broadcast %rsqrt3A : vector<2000x1xf32> to vector<2000x128xf32>
    %mul3A_19 = arith.mulf %dot_general3A_18, %mul3A : vector<2000x128xf32>
    %swap3A = arith.constant 0 : index
    %swap3A_20 = arith.constant 0 : index
    %swap3A_21 = vector.load %arg4[%swap3A, %swap3A_20] : memref<2000x128xf32, #tpu.memory_space<vmem>>, vector<2000x128xf32>
    tpu.vector_store %arg4[%swap3A, %swap3A_20], %mul3A_19 {strides = array<i32>} : memref<2000x128xf32, #tpu.memory_space<vmem>>, vector<2000x128xf32>,
    return
  }
  func.func @transform_0(%arg0: i32) -> (i32, i32) {
    %c0_i32 = arith.constant 0 : i32
    %c0_i32_0 = arith.constant 0 : i32
    return %arg0, %c0_i32 : i32, i32
  }
  func.func @transform_1(%arg0: i32) -> (i32, i32) {
    %c0_i32 = arith.constant 0 : i32
    %c0_i32_0 = arith.constant 0 : i32
    %c0_i32_1 = arith.constant 0 : i32
    return %c0_i32, %c0_i32_0 : i32, i32
  }
  func.func @transform_2(%arg0: i32) -> (i32, i32, i32) {
    %c0_i32 = arith.constant 0 : i32
    %c0_i32_0 = arith.constant 0 : i32
    %c0_i32_1 = arith.constant 0 : i32
    return %c0_i32, %arg0, %c0_i32_0 : i32, i32, i32
  }
  func.func @transform_3(%arg0: i32) -> (i32, i32) {
    %c0_i32 = arith.constant 0 : i32
    %c0_i32_0 = arith.constant 0 : i32
    return %arg0, %c0_i32 : i32, i32
  }
}

module attributes {stable_mosaic.version = 14 : i64} {
  func.func @body(%arg0: i32, %arg1: memref<2x2000x128xf32, #tpu.memory_space<vmem>>, %arg2: memref<2000x128xf32, #tpu.memory_space<vmem>>, %arg3: memref<2x2000x128xf32, #tpu.memory_space<vmem>>, %arg4: memref<1x128xf32, #tpu.memory_space<vmem>>, %arg5: memref<1x1x2000xi32, #tpu.memory_space<vmem>>, %arg6: memref<128x128xf32, #tpu.memory_space<vmem>>, %arg7: memref<1x128xf32, #tpu.memory_space<vmem>>, %arg8: memref<64x128xf32, #tpu.memory_space<vmem>>, %arg9: memref<64x128xf32, #tpu.memory_space<vmem>>, %arg10: memref<64x128xf32, #tpu.memory_space<vmem>>) attributes {dimension_semantics = [#tpu.dimension_semantics<arbitrary>], iteration_bounds = array<i64: 5>, scalar_prefetch = 0 : i64, scratch_operands = 2 : i64, tpu.core_type = #tpu.core_type<tc>, window_params = [{transform_indices = @transform_0, window_bounds = array<i64: 2, 2000, 128>}, {transform_indices = @transform_1, window_bounds = array<i64: 2000, 128>}, {transform_indices = @transform_2, window_bounds = array<i64: 2, 2000, 128>}, {pipeline_mode = #tpu.pipeline_mode<synchronous>, transform_indices = @transform_3, window_bounds = array<i64: 1, 128>}, {transform_indices = @transform_4, window_bounds = array<i64: 1, 1, 2000>}, {pipeline_mode = #tpu.pipeline_mode<synchronous>, transform_indices = @transform_5, window_bounds = array<i64: 128, 128>}, {pipeline_mode = #tpu.pipeline_mode<synchronous>, transform_indices = @transform_6, window_bounds = array<i64: 1, 128>}, {pipeline_mode = #tpu.pipeline_mode<synchronous>, transform_indices = @transform_7, window_bounds = array<i64: 64, 128>}]} {
    %eq3A = arith.constant 0 : i32
    %eq3A_0 = arith.cmpi eq, %arg0, %eq3A : i32
    %convert_element_type3A = arith.extui %eq3A_0 : i1 to i32
    %cond3A = arith.constant 0 : i32
    %cond3A_1 = arith.cmpi ne, %convert_element_type3A, %cond3A : i32
    scf.if %cond3A_1 {
      %broadcast_in_dim3A_66 = arith.constant 0.000000e+00 : f32
      %broadcast_in_dim3A_67 = vector.broadcast %broadcast_in_dim3A_66 : f32 to vector<64x128xf32>
      %swap3A_68 = arith.constant 0 : index
      %swap3A_69 = arith.constant 0 : index
      %swap3A_70 = vector.load %arg9[%swap3A_68, %swap3A_69] : memref<64x128xf32, #tpu.memory_space<vmem>>, vector<64x128xf32>
      tpu.vector_store %arg9[%swap3A_68, %swap3A_69], %broadcast_in_dim3A_67 {strides = array<i32>} : memref<64x128xf32, #tpu.memory_space<vmem>>, vector<64x128xf32>,
      %broadcast_in_dim3A_71 = arith.constant 0.000000e+00 : f32
      %broadcast_in_dim3A_72 = vector.broadcast %broadcast_in_dim3A_71 : f32 to vector<64x128xf32>
      %swap3A_73 = arith.constant 0 : index
      %swap3A_74 = arith.constant 0 : index
      %swap3A_75 = vector.load %arg10[%swap3A_73, %swap3A_74] : memref<64x128xf32, #tpu.memory_space<vmem>>, vector<64x128xf32>
      tpu.vector_store %arg10[%swap3A_73, %swap3A_74], %broadcast_in_dim3A_72 {strides = array<i32>} : memref<64x128xf32, #tpu.memory_space<vmem>>, vector<64x128xf32>,
    } else {
    }
    %get3A = arith.constant 0 : index
    %get3A_2 = arith.constant 0 : index
    %get3A_3 = arith.constant 0 : index
    %get3A_4 = vector.load %arg3[%get3A, %get3A_2, %get3A_3] : memref<2x2000x128xf32, #tpu.memory_space<vmem>>, vector<1x2000x128xf32>
    %get3A_5 = vector.shape_cast %get3A_4 : vector<1x2000x128xf32> to vector<2000x128xf32>
    %get3A_6 = arith.constant 1 : index
    %get3A_7 = arith.constant 0 : index
    %get3A_8 = arith.constant 0 : index
    %get3A_9 = vector.load %arg3[%get3A_6, %get3A_7, %get3A_8] : memref<2x2000x128xf32, #tpu.memory_space<vmem>>, vector<1x2000x128xf32>
    %get3A_10 = vector.shape_cast %get3A_9 : vector<1x2000x128xf32> to vector<2000x128xf32>
    %add3A = arith.addf %get3A_5, %get3A_10 : vector<2000x128xf32>
    %slice3A = vector.extract_strided_slice %add3A {offsets = [0, 0], sizes = [2000, 1], strides = [1, 1]} : vector<2000x128xf32> to vector<2000x1xf32>
    %add3A_11 = arith.constant 1.000000e+00 : f32
    %add3A_12 = vector.broadcast %add3A_11 : f32 to vector<2000x1xf32>
    %add3A_13 = arith.addf %slice3A, %add3A_12 : vector<2000x1xf32>
    %rsqrt3A = math.rsqrt %add3A_13 : vector<2000x1xf32>
    %get3A_14 = arith.constant 0 : index
    %get3A_15 = arith.constant 0 : index
    %get3A_16 = arith.constant 0 : index
    %get3A_17 = vector.load %arg1[%get3A_14, %get3A_15, %get3A_16] : memref<2x2000x128xf32, #tpu.memory_space<vmem>>, vector<1x2000x128xf32>
    %get3A_18 = vector.shape_cast %get3A_17 : vector<1x2000x128xf32> to vector<2000x128xf32>
    %get3A_19 = arith.constant 1 : index
    %get3A_20 = arith.constant 0 : index
    %get3A_21 = arith.constant 0 : index
    %get3A_22 = vector.load %arg1[%get3A_19, %get3A_20, %get3A_21] : memref<2x2000x128xf32, #tpu.memory_space<vmem>>, vector<1x2000x128xf32>
    %get3A_23 = vector.shape_cast %get3A_22 : vector<1x2000x128xf32> to vector<2000x128xf32>
    %add3A_24 = arith.addf %get3A_18, %get3A_23 : vector<2000x128xf32>
    %get3A_25 = arith.constant 0 : index
    %get3A_26 = arith.constant 0 : index
    %get3A_27 = vector.load %arg2[%get3A_25, %get3A_26] : memref<2000x128xf32, #tpu.memory_space<vmem>>, vector<2000x128xf32>
    %add3A_28 = arith.addf %add3A_24, %get3A_27 : vector<2000x128xf32>
    %mul3A = vector.broadcast %rsqrt3A : vector<2000x1xf32> to vector<2000x128xf32>
    %mul3A_29 = arith.mulf %mul3A, %add3A_28 : vector<2000x128xf32>
    %get3A_30 = arith.constant 0 : index
    %get3A_31 = arith.constant 0 : index
    %get3A_32 = vector.load %arg4[%get3A_30, %get3A_31] : memref<1x128xf32, #tpu.memory_space<vmem>>, vector<1x128xf32>
    %add3A_33 = vector.broadcast %get3A_32 : vector<1x128xf32> to vector<2000x128xf32>
    %add3A_34 = arith.addf %mul3A_29, %add3A_33 : vector<2000x128xf32>
    %get3A_35 = arith.constant 0 : index
    %get3A_36 = arith.constant 0 : index
    %get3A_37 = arith.constant 0 : index
    %get3A_38 = vector.load %arg5[%get3A_35, %get3A_36, %get3A_37] : memref<1x1x2000xi32, #tpu.memory_space<vmem>>, vector<1x1x2000xi32>
    %get3A_39 = vector.shape_cast %get3A_38 : vector<1x1x2000xi32> to vector<1x2000xi32>
    %iota3A = tpu.iota {dimensions = array<i32: 0>} : vector<64x2000xi32>
    %eq3A_40 = vector.broadcast %get3A_39 : vector<1x2000xi32> to vector<64x2000xi32>
    %eq3A_41 = arith.cmpi eq, %iota3A, %eq3A_40 : vector<64x2000xi32>
    %convert_element_type3A_42 = arith.extui %eq3A_41 : vector<64x2000xi1> to vector<64x2000xi32>
    %convert_element_type3A_43 = arith.sitofp %convert_element_type3A_42 : vector<64x2000xi32> to vector<64x2000xf32>
    %get3A_44 = arith.constant 0 : index
    %get3A_45 = arith.constant 0 : index
    %get3A_46 = vector.load %arg9[%get3A_44, %get3A_45] : memref<64x128xf32, #tpu.memory_space<vmem>>, vector<64x128xf32>
    %dot_general3A = arith.constant dense<0.000000e+00> : vector<64x128xf32>
    %dot_general3A_47 = tpu.matmul %convert_element_type3A_43, %add3A_34, %dot_general3A {dimension_numbers = #tpu.dot_dimension_numbers<[1], [0], [0], [1], [0, 0, 1, 1], [], []>, transpose_lhs_hint = false} : vector<64x2000xf32>, vector<2000x128xf32>, vector<64x128xf32> -> vector<64x128xf32>
    %add3A_48 = arith.addf %get3A_46, %dot_general3A_47 : vector<64x128xf32>
    %swap3A = arith.constant 0 : index
    %swap3A_49 = arith.constant 0 : index
    %swap3A_50 = vector.load %arg9[%swap3A, %swap3A_49] : memref<64x128xf32, #tpu.memory_space<vmem>>, vector<64x128xf32>
    tpu.vector_store %arg9[%swap3A, %swap3A_49], %add3A_48 {strides = array<i32>} : memref<64x128xf32, #tpu.memory_space<vmem>>, vector<64x128xf32>,
    %get3A_51 = arith.constant 0 : index
    %get3A_52 = arith.constant 0 : index
    %get3A_53 = vector.load %arg10[%get3A_51, %get3A_52] : memref<64x128xf32, #tpu.memory_space<vmem>>, vector<64x128xf32>
    %broadcast_in_dim3A = arith.constant 1.000000e+00 : f32
    %broadcast_in_dim3A_54 = vector.broadcast %broadcast_in_dim3A : f32 to vector<2000x128xf32>
    %dot_general3A_55 = arith.constant dense<0.000000e+00> : vector<64x128xf32>
    %dot_general3A_56 = tpu.matmul %convert_element_type3A_43, %broadcast_in_dim3A_54, %dot_general3A_55 {dimension_numbers = #tpu.dot_dimension_numbers<[1], [0], [0], [1], [0, 0, 1, 1], [], []>, transpose_lhs_hint = false} : vector<64x2000xf32>, vector<2000x128xf32>, vector<64x128xf32> -> vector<64x128xf32>
    %add3A_57 = arith.addf %get3A_53, %dot_general3A_56 : vector<64x128xf32>
    %swap3A_58 = arith.constant 0 : index
    %swap3A_59 = arith.constant 0 : index
    %swap3A_60 = vector.load %arg10[%swap3A_58, %swap3A_59] : memref<64x128xf32, #tpu.memory_space<vmem>>, vector<64x128xf32>
    tpu.vector_store %arg10[%swap3A_58, %swap3A_59], %add3A_57 {strides = array<i32>} : memref<64x128xf32, #tpu.memory_space<vmem>>, vector<64x128xf32>,
    %eq3A_61 = arith.constant 4 : i32
    %eq3A_62 = arith.cmpi eq, %arg0, %eq3A_61 : i32
    %convert_element_type3A_63 = arith.extui %eq3A_62 : i1 to i32
    %cond3A_64 = arith.constant 0 : i32
    %cond3A_65 = arith.cmpi ne, %convert_element_type3A_63, %cond3A_64 : i32
    scf.if %cond3A_65 {
      %get3A_66 = arith.constant 0 : index
      %get3A_67 = arith.constant 0 : index
      %get3A_68 = vector.load %arg9[%get3A_66, %get3A_67] : memref<64x128xf32, #tpu.memory_space<vmem>>, vector<64x128xf32>
      %get3A_69 = arith.constant 0 : index
      %get3A_70 = arith.constant 0 : index
      %get3A_71 = vector.load %arg10[%get3A_69, %get3A_70] : memref<64x128xf32, #tpu.memory_space<vmem>>, vector<64x128xf32>
      %max3A = arith.constant 1.000000e+00 : f32
      %max3A_72 = vector.broadcast %max3A : f32 to vector<64x128xf32>
      %max3A_73 = arith.maximumf %get3A_71, %max3A_72 : vector<64x128xf32>
      %div3A = arith.divf %get3A_68, %max3A_73 : vector<64x128xf32>
      %get3A_74 = arith.constant 0 : index
      %get3A_75 = arith.constant 0 : index
      %get3A_76 = vector.load %arg6[%get3A_74, %get3A_75] : memref<128x128xf32, #tpu.memory_space<vmem>>, vector<128x128xf32>
      %dot_general3A_77 = arith.constant dense<0.000000e+00> : vector<64x128xf32>
      %dot_general3A_78 = tpu.matmul %div3A, %get3A_76, %dot_general3A_77 {dimension_numbers = #tpu.dot_dimension_numbers<[1], [0], [0], [1], [0, 0, 1, 1], [], []>, transpose_lhs_hint = false} : vector<64x128xf32>, vector<128x128xf32>, vector<64x128xf32> -> vector<64x128xf32>
      %get3A_79 = arith.constant 0 : index
      %get3A_80 = arith.constant 0 : index
      %get3A_81 = vector.load %arg7[%get3A_79, %get3A_80] : memref<1x128xf32, #tpu.memory_space<vmem>>, vector<1x128xf32>
      %add3A_82 = vector.broadcast %get3A_81 : vector<1x128xf32> to vector<64x128xf32>
      %add3A_83 = arith.addf %dot_general3A_78, %add3A_82 : vector<64x128xf32>
      %swap3A_84 = arith.constant 0 : index
      %swap3A_85 = arith.constant 0 : index
      %swap3A_86 = vector.load %arg8[%swap3A_84, %swap3A_85] : memref<64x128xf32, #tpu.memory_space<vmem>>, vector<64x128xf32>
      tpu.vector_store %arg8[%swap3A_84, %swap3A_85], %add3A_83 {strides = array<i32>} : memref<64x128xf32, #tpu.memory_space<vmem>>, vector<64x128xf32>,
    } else {
    }
    return
  }
  func.func @transform_0(%arg0: i32) -> (i32, i32, i32) {
    %c0_i32 = arith.constant 0 : i32
    %c0_i32_0 = arith.constant 0 : i32
    %c0_i32_1 = arith.constant 0 : i32
    return %c0_i32, %arg0, %c0_i32_0 : i32, i32, i32
  }
  func.func @transform_1(%arg0: i32) -> (i32, i32) {
    %c0_i32 = arith.constant 0 : i32
    %c0_i32_0 = arith.constant 0 : i32
    return %arg0, %c0_i32 : i32, i32
  }
  func.func @transform_2(%arg0: i32) -> (i32, i32, i32) {
    %c0_i32 = arith.constant 0 : i32
    %c0_i32_0 = arith.constant 0 : i32
    %c0_i32_1 = arith.constant 0 : i32
    return %c0_i32, %arg0, %c0_i32_0 : i32, i32, i32
  }
  func.func @transform_3(%arg0: i32) -> (i32, i32) {
    %c0_i32 = arith.constant 0 : i32
    %c0_i32_0 = arith.constant 0 : i32
    %c0_i32_1 = arith.constant 0 : i32
    return %c0_i32, %c0_i32_0 : i32, i32
  }
  func.func @transform_4(%arg0: i32) -> (i32, i32, i32) {
    %c0_i32 = arith.constant 0 : i32
    %c0_i32_0 = arith.constant 0 : i32
    %c0_i32_1 = arith.constant 0 : i32
    return %arg0, %c0_i32, %c0_i32_0 : i32, i32, i32
  }
  func.func @transform_5(%arg0: i32) -> (i32, i32) {
    %c0_i32 = arith.constant 0 : i32
    %c0_i32_0 = arith.constant 0 : i32
    %c0_i32_1 = arith.constant 0 : i32
    return %c0_i32, %c0_i32_0 : i32, i32
  }
  func.func @transform_6(%arg0: i32) -> (i32, i32) {
    %c0_i32 = arith.constant 0 : i32
    %c0_i32_0 = arith.constant 0 : i32
    %c0_i32_1 = arith.constant 0 : i32
    return %c0_i32, %c0_i32_0 : i32, i32
  }
  func.func @transform_7(%arg0: i32) -> (i32, i32) {
    %c0_i32 = arith.constant 0 : i32
    %c0_i32_0 = arith.constant 0 : i32
    %c0_i32_1 = arith.constant 0 : i32
    return %c0_i32, %c0_i32_0 : i32, i32
  }
}

</mosaic_0001>

<sc_bundles>
// kernel: kernel.10.cloned.1.call-start
scs
__scs_entry_jumppad:
0x0: {  	(pc) =	sbr.rel $0x88, $3  }
0x1: {  	(tag) =	ssettag $0x0;
	lr =	simm.s32 $0x1  }
0x2: {  	[smem:$0x3F96] =	sst lr;
	_ =	strace $0xD0000000  }
0x3: {  	_ = 	snop  }
0x4: {  	_ = 	snop  }
0x5: {  	_ = 	snop  }
0x6: {  	_ = 	snop  }
0x7: {  	_ = 	snop  }
__scs_overlays_trampoline_lowered:
0x8: {  	[smem:$0x3FA5] =	sst s0  }
0x9: {  	[smem:$0x3FA6] =	sst s1  }
0xa: {  	[smem:$0x3FA7] =	sst s2  }
0xb: {  	[smem:$0x3FA8] =	sst s3  }
0xc: {  	[smem:$0x3FA9] =	sst s4  }
0xd: {  	[smem:$0x3FAA] =	sst s5  }
0xe: {  	[smem:$0x3FAB] =	sst s6  }
0xf: {  	[smem:$0x3FAC] =	sst s7  }
0x10: {  	[smem:$0x3FAD] =	sst s8  }
0x11: {  	[smem:$0x3FAE] =	sst s9;
	s0 =	simm.s32 @!p0 $0x0  }
0x12: {  	s1 =	sld [smem:$0x3F94];
	s0 =	simm.s32 @p0 $0x1  }
0x13: {  	[smem:$0x3FAF] =	sst s0;
	s0 =	simm.s32 @!p1 $0x0  }
0x14: {  	s2 =	sld [smem:$0x3F93];
	s0 =	simm.s32 @p1 $0x1  }
0x15: {  	[smem:$0x3FB0] =	sst s0;
	s0 =	simm.s32 @!p2 $0x0  }
0x16: {  	s3 =	sld [smem:$0x3FDB];
	s0 =	simm.s32 @p2 $0x1  }
0x17: {  	s4 =	simm.s32 $0x1BF5;
	[smem:$0x3FB2] =	sst s0  }
0x18: {  	s0 =	sld [smem:$0x3F95];
	_ =	swait.ge [sflag:s4], $0x0  }
0x19: {  	s7 =	sld [smem:$0x3F96]  }
0x1a: {  	s8 =	sadd.s32 $0xFFFFE003, lr  }
0x1b: {  	s9 =	sadd.s32 $0xFFFFFEF7, lr;
	s5 =	simm.s32 $0xFFFFFFFF;
	p2 =	slt.u32 s8, $0xFFFFF086  }
0x1c: {  	p1 =	slt.u32 s9, $0xF7A;
	s5 =	simm.s32 @!p2 $0x0  }
0x1d: {  	s5 =	simm.s32 @p1 $0x1;
	p0 =	seq.s32 s7, s2  }
0x1e: {  	s7 =	smul.u32 @!p0 $0xF7A, s2;
	p2 =	seq.s32 @!p0 s5, $0x0  }
0x1f: {  	s9 =	smul.u32 $0xF7A, s1;
	s8 =	simm.s32 @!p0 $0x1BF5;
	p2 =	por !p2, p0  }
0x20: {  	[sflag:s8] =	ssyncset.s32 @!p0 $0xFFFFF086;
	s6 =	sadd.s32 @!p0 s3, s7;
	s7 =	simm.s32 @!p0 $0x108  }
0x21: {  	s3 =	sadd.s32 s3, s9;
	s6 =	sadd.s32 @!p0 $0x88, s6;
	s7 =	simm.s32 @p2 $0x1082  }
0x22: {  	[simem:s7], [sflag:s8] =	dma.local @!p0 [hbm:s6], $0xF7A  }
0x23: {  	s9 =	sor.u32 $0xD0000000, s2;
	s6 =	simm.s32 $0x108;
	_ =	swait.ge @!p0 [sflag:s8], $0x0  }
0x24: {  	s3 =	sadd.s32 $0x88, s3;
	s6 =	simm.s32 @!p1 $0x1082;
	[sflag:s4] =	ssyncset.s32 $0xFFFFF086  }
0x25: {  	[simem:s6], [sflag:s4] =	dma.local [hbm:s3], $0xF7A  }
0x26: {  	[smem:$0x3F96] =	sst s1;
	(tag) =	ssettag s2;
	_ =	strace s9  }
0x27: {  	s1 =	sld [smem:$0x3FA6]  }
0x28: {  	s2 =	sld [smem:$0x3FA7]  }
0x29: {  	s4 =	sld [smem:$0x3FA9]  }
0x2a: {  	p0 =	seq.s32 s5, $0x0;
	s5 =	sld [smem:$0x3FAA]  }
0x2b: {  	s6 =	sld [smem:$0x3FAB]  }
0x2c: {  	s7 =	sld [smem:$0x3FAC]  }
0x2d: {  	s3 =	simm.s32 $0x108;
	s8 =	sld [smem:$0x3FAD]  }
0x2e: {  	s3 =	simm.s32 @!p0 $0x1082;
	s9 =	sld [smem:$0x3FAE]  }
0x2f: {  	lr =	sadd.s32 s0, s3;
	s0 =	sld [smem:$0x3FA5]  }
0x30: {  	s3 =	sld [smem:$0x3FA8]  }
0x31: {  	[smem:$0x3FB1] =	sst s10  }
0x32: {  	s10 =	sld [smem:$0x3FAF];
	_ =	sdelay $0x3  }
0x33: {  	p0 =	seq.s32 s10, $0x1;
	s10 =	sld [smem:$0x3FB1];
	_ =	sdelay $0x3  }
0x34: {  	[smem:$0x3FB1] =	sst s10  }
0x35: {  	s10 =	sld [smem:$0x3FB0];
	_ =	sdelay $0x3  }
0x36: {  	p1 =	seq.s32 s10, $0x1;
	s10 =	sld [smem:$0x3FB1];
	_ =	sdelay $0x3  }
0x37: {  	[smem:$0x3FB1] =	sst s10  }
0x38: {  	s10 =	sld [smem:$0x3FB2]  }
0x39: {  	_ = 	snop;
	(pc) =	sbr.ind lr, $3  }
0x3a: {  	_ = 	snop  }
0x3b: {  	_ = 	snop  }
0x3c: {  	p2 =	seq.s32 s10, $0x1;
	s10 =	sld [smem:$0x3FB1]  }
0x3d: {  	_ =	shalt  }
0x3e: {  	_ =	shalt  }
0x3f: {  	_ =	shalt  }
0x40: {  	_ =	shalt  }
0x41: {  	_ =	shalt  }
0x42: {  	_ =	shalt  }
0x43: {  	_ =	shalt  }
0x44: {  	_ =	shalt  }
0x45: {  	_ =	shalt  }
0x46: {  	_ =	shalt  }
0x47: {  	_ =	shalt  }
0x48: {  	_ =	shalt  }
0x49: {  	_ =	shalt  }
0x4a: {  	_ =	shalt  }
0x4b: {  	_ =	shalt  }
0x4c: {  	_ =	shalt  }
0x4d: {  	_ =	shalt  }
0x4e: {  	_ =	shalt  }
0x4f: {  	_ =	shalt  }
0x50: {  	_ =	shalt  }
0x51: {  	_ =	shalt  }
0x52: {  	_ =	shalt  }
0x53: {  	_ =	shalt  }
0x54: {  	_ =	shalt  }
0x55: {  	_ =	shalt  }
0x56: {  	_ =	shalt  }
0x57: {  	_ =	shalt  }
0x58: {  	_ =	shalt  }
0x59: {  	_ =	shalt  }
0x5a: {  	_ =	shalt  }
0x5b: {  	_ =	shalt  }
0x5c: {  	_ =	shalt  }
0x5d: {  	_ =	shalt  }
0x5e: {  	_ =	shalt  }
0x5f: {  	_ =	shalt  }
0x60: {  	_ =	shalt  }
0x61: {  	_ =	shalt  }
0x62: {  	_ =	shalt  }
0x63: {  	_ =	shalt  }
0x64: {  	_ =	shalt  }
0x65: {  	_ =	shalt  }
0x66: {  	_ =	shalt  }
0x67: {  	_ =	shalt  }
0x68: {  	_ =	shalt  }
0x69: {  	_ =	shalt  }
0x6a: {  	_ =	shalt  }
0x6b: {  	_ =	shalt  }
0x6c: {  	_ =	shalt  }
0x6d: {  	_ =	shalt  }
0x6e: {  	_ =	shalt  }
0x6f: {  	_ =	shalt  }
0x70: {  	_ =	shalt  }
0x71: {  	_ =	shalt  }
0x72: {  	_ =	shalt  }
0x73: {  	_ =	shalt  }
0x74: {  	_ =	shalt  }
0x75: {  	_ =	shalt  }
0x76: {  	_ =	shalt  }
0x77: {  	_ =	shalt  }
0x78: {  	_ =	shalt  }
0x79: {  	_ =	shalt  }
0x7a: {  	_ =	shalt  }
0x7b: {  	_ =	shalt  }
0x7c: {  	_ =	shalt  }
0x7d: {  	_ =	shalt  }
0x7e: {  	_ =	shalt  }
0x7f: {  	_ =	shalt  }
0x80: {  	_ =	shalt  }
0x81: {  	_ =	shalt  }
0x82: {  	_ =	shalt  }
0x83: {  	_ =	shalt  }
0x84: {  	_ =	shalt  }
0x85: {  	_ =	shalt  }
0x86: {  	_ =	shalt  }
0x87: {  	_ =	shalt  }
.Lfunc_end0:
.L_simem_size_0:
called_computation_lowered:
.L_overlay_start_0:
0x88: {  	s2 =	sld [smem:$0x3FD9]  }
0x89: {  	s3 =	sld [smem:$0x3FFE];
	_ =	sdelay $0x1  }
0x8a: {  	s1 =	srdreg.scid  }
0x8b: {  	s0 =	sand.u32 $0x1, s1  }
0x8c: {  	s16 =	sshll.u32 s0, $0xA;
	s2 =	sadd.s32 s3, s2  }
0x8d: {  	s2 =	sadd.s32 s2, s16  }
0x8e: {  	[smem:$0x3FBD] =	sst s2  }
0x8f: {  	_ = 	snop  }
0x90: {  	(tm) =	ssettm $0x1  }
0x91: {  	s17 =	sld [smem:$0x3FFB];
	_ =	sdelay $0x3  }
0x92: {  	_ =	strace s17  }
0x93: {  	s2 =	sld [smem:$0x3FFC];
	_ =	sdelay $0x3  }
0x94: {  	_ =	strace s2  }
0x95: {  	s2 =	sld [smem:$0x3FFD];
	_ =	sdelay $0x3  }
0x96: {  	_ =	strace s2  }
0x97: {  	_ =	strace $0x8FFFFFFF  }
0x98: {  	s18 =	sld [smem:$0x3FDB];
	_ =	sdelay $0x1  }
0x99: {  	s19 =	simm.s32 $_scs_section_size  }
0x9a: {  	s4 =	simm.s32 $_size__tile_overlayer_lowered;
	s5 =	simm.s32 $_tile_overlayer_lowered  }
0x9b: {  	s22 =	simm.s32 $0x1BFF;
	s21 =	sshll.u32 s5, $0x1;
	s2 =	sadd.s32 s19, s18  }
0x9c: {  	s6 =	simm.s32 $0x0;
	s20 =	sshll.u32 s4, $0x1;
	s4 =	sadd.s32 s21, s2  }
0x9d: {  	[timem:s6], [sflag:s22] =	dma.local [hbm:s4], s20  }
0x9e: {  	_ =	swait.ge [sflag:s22], s20  }
0x9f: {  	s3 =	ssub.s32 $0x0, s20;
	[sflag:s22] =	ssyncset.done $0x0  }
0xa0: {  	[sflag:s22] =	ssyncadd.s32 s3;
	_ =	sdelay $0x1  }
0xa1: {  	s23 =	simm.s32 $0x1B8B  }
0xa2: {  	_ =	swait.ge [sflag:s23], $0x1  }
0xa3: {  	[sflag:s23] =	ssyncset.done $0x0  }
0xa4: {  	s25 =	simm.s32 $0x1B8E;
	s24 =	sld [smem:$0x3FFE];
	[sflag:s23] =	ssyncadd.s32 $0xFFFFFFFF  }
0xa5: {  	s26 =	simm.s32 $execute0_lowered;
	[smem:$0x3FD2] =	sst s25  }
0xa6: {  	s4 =	sshll.u32 s26, $0x1;
	_ =	strace $0x80000046;
	[dreg:$0x1] =	wrdreg $0xFFFFFFFF  }
0xa7: {  	s28 =	simm.s32 $_size_execute0_lowered;
	s2 =	sadd.s32 s2, s4;
	[dreg:$0x0] =	wrdreg $0x0  }
0xa8: {  	s4 =	sshll.u32 s28, $0x1;
	[dreg:$0x2] =	wrdreg s2  }
0xa9: {  	[dreg:$0x3] =	wrdreg s4  }
0xaa: {  	[dreg:$0x4] =	wrdreg $0xC0  }
0xab: {  	_ =	task [dreg:s6], $0x5FFFF  }
0xac: {  	[dreg:$0x1] =	wrdreg $0xFFFFFFFF  }
0xad: {  	[dreg:$0x0] =	wrdreg $0x60  }
0xae: {  	[dreg:$0x2] =	wrdreg s24  }
0xaf: {  	[dreg:$0x3] =	wrdreg $0x68000  }
0xb0: {  	[dreg:$0x4] =	wrdreg $0x9  }
0xb1: {  	_ =	task.clear_ibuf [dreg:s6], $0x5FFFF;
	_ =	strace $0x90000046  }
0xb2: {  	s29 =	simm.s32 $0x9;
	_ =	strace $0x80000048  }
0xb3: {  	_ =	swait.ge [sflag:s29], $0x1  }
0xb4: {  	[sflag:s29] =	ssyncadd.s32 $0xFFFFFFFF  }
0xb5: {  	_ =	strace $0x90000048  }
0xb6: {  	_ =	sfence  }
0xb7: {  	s30 =	sld [smem:$0x0];
	_ =	sdelay $0x2  }
0xb8: {  	s31 =	sshll.u32 s1, $0xD;
	s1 =	sshrl.u32 s1, $0x2  }
0xb9: {  	s3 =	sand.u32 $0x4000, s31;
	s1 =	sadd.s32 s1, s30  }
0xba: {  	s0 =	sor.u32 s3, s0;
	s1 =	sshll.u32 s1, $0x11  }
0xbb: {  	s0 =	sor.u32 s1, s0  }
0xbc: {  	s0 =	sadd.s32 $0x8F2B, s0  }
0xbd: {  	[sflag:s0] =	ssyncadd.remote.s32 $0x1  }
0xbe: {  	_ =	sfence.sel $0xFFFF  }
0xbf: {  	[dreg:$0x0] =	wrdreg $0xFFFFFFFF;
	(pc) =	sbr.abs _section_cstart, $3  }
0xc0: {  	[dreg:$0x1] =	wrdreg $0xFFFFFFFF  }
0xc1: {  	_ =	task.clear_ibuf [dreg:s6], $0x2FFFF;
	_ =	strace $0x9FFFFFFF  }
0xc2: {  	(tm) =	ssettm $0x7FFFFFFF  }
0xc3: {  	_ =	shalt  }
tec
execute0_lowered:
.L_overlay_start_1:
0x0: {  	(tag) =	ssettag $0x1  }
0x1: {  	s0 =	srdreg.scid;
	s6 =	rddreg [dreg:$0x0]  }
0x2: {  	s2 =	rddreg [dreg:$0x1];
	s3 =	simm.s32 $0x0;
	s13 =	simm.s32 $0x80  }
0x3: {  	s14 =	simm.s32 $0x1;
	s15 =	simm.s32 $0x2;
	s5 =	sand.u32 $0x1, s0  }
0x4: {  	s16 =	simm.s32 $0x0;
	s0 =	stileid.u32;
	s7 =	smul.u32 $0x140000, s5  }
0x5: {  	[smem:$0x7FF] =	sst s3;
	s1 =	sshll.u32 s5, $0x4;
	s8 =	smul.u32 $0x14000, s0  }
0x6: {  	s28 =	ssub.s32 $0x2, s5;
	s10 =	smul.u32 $0x50000, s0;
	s5 =	sadd.s32 $0x17800, s6  }
0x7: {  	s31 =	sshll.u32 s0, $0x6;
	s1 =	sor.u32 s0, s1;
	s29 =	sshrl.u32 s28, $0x1  }
0x8: {  	s4 =	smul.u32 $0x500, s1;
	s1 =	rddreg [dreg:$0x2];
	_ =	strace $0x80000047  }
0x9: {  	s7 =	sadd.s32 s8, s7;
	s12 =	ssub.s32 s28, s29;
	s30 =	sshrl.u32 s10, $0x2  }
0xa: {  	s7 =	sshrl.u32 s7, $0x3;
	s10 =	sadd.s32 s30, s2;
	s9 =	sadd.s32 s4, s6  }
0xb: {  	s4 =	sadd.s32 $0x1A000, s6;
	s11 =	sadd.s32 s7, s6;
	s6 =	sor.u32 $0x1C03, s31  }
0xc: {  	s10 =	sshrl.u32 s10, $0x3;
	s7 =	sadd.s32 $0x3800, s9;
	s8 =	sadd.s32 $0x1A800, s11  }
0xd: {  	s9 =	smax.u32 s12, $0x1;
	s11 =	simm.s32 $0x3;
	s12 =	simm.s32 $0x2800  }
.LBB2_1:
0xe: {  	[spmem:s10], [sflag:s6] =	dma.local [hbm:s5], $0x2800  }
0xf: {  	_ =	swait.ge [sflag:s11], $0x2800  }
0x10: {  	[sflag:s11] =	ssyncset.done $0x0  }
0x11: {  	[sflag:s11] =	ssyncadd.s32 $0xFFFFD800  }
0x12: {  	[tilespmem:s12], [sflag:$0x3] =	stream.linear.gather [hbm4b:s4+s3], $0x4000, $0x38;
	[tilespmem:$0x1A800] =	vst v63  }
0x13: {  	_ =	swait.ge [sflag:s11], $0x4000  }
0x14: {  	[sflag:s11] =	ssyncset.done $0x0  }
0x15: {  	[sflag:s11] =	ssyncadd.s32 $0xFFFFC000  }
0x16: {  	[tilespmem:s3], [sflag:$0x3] =	stream.linear.gather [hbm4b:s7+s3], $0x2800, $0x38;
	[tilespmem:$0x1A800] =	vst v63  }
0x17: {  	_ =	swait.ge [sflag:s11], $0x2800  }
0x18: {  	[sflag:s11] =	ssyncset.done $0x0  }
0x19: {  	[sflag:s11] =	ssyncadd.s32 $0xFFFFD800  }
0x1a: {  	s17 =	simm.s32 $0x0;
	[bflag:$0x0] =	sbarrier.arrive $0xFFFF  }
0x1b: {  	[spmem:s2] =	stream.indirect.scatter.add.f32 [tilespmem:s12], [sflag:$0x1], $0x80, s17, s13, $0xb8;
	[tilespmem:$0x1A800] =	vst v63  }
0x1c: {  	s31 =	simm.s32 $0x80  }
0x1d: {  	[spmem:s2] =	stream.indirect.scatter.add.f32 [tilespmem:s12], [sflag:$0x2], $0x80, s31, s13, $0xb8;
	[tilespmem:$0x1A800] =	vst v63  }
0x1e: {  	_ =	swait.ge [sflag:s14], $0x4000  }
0x1f: {  	[sflag:s14] =	ssyncset.done $0x0  }
0x20: {  	[sflag:s14] =	ssyncadd.s32 $0xFFFFC000  }
0x21: {  	_ =	swait.ge [sflag:s15], $0x4000  }
0x22: {  	s18 =	simm.s32 $0x800;
	s17 =	simm.s32 $0x400;
	[sflag:s15] =	ssyncset.done $0x0  }
.LBB2_2:
0x23: {  	s19 =	sshra.s32 s17, $0x2  }
0x24: {  	[sflag:s15] =	ssyncadd.s32 $0xFFFFC000;
	s17 =	smov.u32 s18;
	s20 =	sadd.s32 $0x400, s18  }
0x25: {  	[spmem:s2] =	stream.indirect.scatter.add.f32 [tilespmem:s12], [sflag:$0x1], $0x80, s19, s13, $0xb8;
	[tilespmem:$0x1A800] =	vst v63  }
0x26: {  	p0 =	sne.s32 s18, $0x9C00;
	s18 =	sadd.s32 $0x80, s19  }
0x27: {  	[spmem:s2] =	stream.indirect.scatter.add.f32 [tilespmem:s12], [sflag:$0x2], $0x80, s18, s13, $0xb8;
	[tilespmem:$0x1A800] =	vst v63  }
.Ltmp0:
0x28: {  	_ =	swait.ge [sflag:s14], $0x4000;
	(pc) =	sbr.rel @p0 .LBB2_2-.Ltmp0, $4  }
0x29: {  	[sflag:s14] =	ssyncset.done $0x0  }
0x2a: {  	[sflag:s14] =	ssyncadd.s32 $0xFFFFC000  }
0x2b: {  	_ =	swait.ge [sflag:s15], $0x4000  }
0x2c: {  	s18 =	smov.u32 s20;
	[sflag:s15] =	ssyncset.done $0x0  }
0x2d: {  	s17 =	sshra.s32 s17, $0x2;
	[sflag:s15] =	ssyncadd.s32 $0xFFFFC000  }
0x2e: {  	[spmem:s2] =	stream.indirect.scatter.add.f32 [tilespmem:s12], [sflag:$0x1], $0x80, s17, s13, $0xb8;
	[tilespmem:$0x1A800] =	vst v63  }
0x2f: {  	s17 =	sadd.s32 $0x80, s17  }
0x30: {  	[spmem:s2] =	stream.indirect.scatter.add.f32 [tilespmem:s12], [sflag:$0x2], $0x80, s17, s13, $0xb8;
	[tilespmem:$0x1A800] =	vst v63  }
0x31: {  	_ =	swait.ge [sflag:s14], $0x4000  }
0x32: {  	[sflag:s14] =	ssyncset.done $0x0  }
0x33: {  	[sflag:s14] =	ssyncadd.s32 $0xFFFFC000  }
0x34: {  	_ =	swait.ge [sflag:s15], $0x4000  }
0x35: {  	s16 =	sadd.s32 $0x1, s16;
	[sflag:s15] =	ssyncset.done $0x0  }
0x36: {  	p0 =	sne.s32 s16, s9;
	[sflag:s15] =	ssyncadd.s32 $0xFFFFC000  }
.Ltmp1:
0x37: {  	[bflag:$0x0] =	sbarrier.arrive $0xFFFF;
	(pc) =	sbr.rel @p0 .LBB2_1-.Ltmp1, $4  }
0x38: {  	[hbm:s8], [sflag:s6] =	dma.local [spmem:s10], $0x2800  }
0x39: {  	_ =	swait.ge [sflag:s11], $0x2800  }
0x3a: {  	[sflag:s11] =	ssyncset.done $0x0  }
0x3b: {  	[sflag:s11] =	ssyncadd.s32 $0xFFFFD800  }
0x3c: {  	_ =	sfence.sel $0x180000  }
0x3d: {  	[bflag:$0x0] =	sbarrier.arrive $0xFFFF  }
0x3e: {  	p0 =	sne.s32 s0, $0x0;
	_ =	strace $0x90000047  }
0x3f: {  	s0 =	sadd.s32 @!p0 $0x100000, s1;
	[bflag:$0x2] =	sbarrier.arrive $0xFFFF  }
0x40: {  	[sflag:s0] =	ssyncadd.tile.s32 @!p0 $0x1;
	_ =	shalt  }
.Lfunc_end2:
_tile_overlayer_lowered:
.L_overlay_start_2:
0x41: {  	(tag) =	ssettag $0x2  }
0x42: {  	s0 =	rddreg [dreg:$0x0];
	s2 =	stileid.u32  }
0x43: {  	s1 =	rddreg [dreg:$0x1];
	p0 =	sne.s32 s2, $0x0  }
0x44: {  	s3 =	rddreg [dreg:$0x2];
	[bflag:$0x3] =	sbarrier.arrive $0xFFFF;
	s2 =	simm.s32 @!p0 $0x1C03  }
0x45: {  	[timem:s3], [sflag:s2] =	dma.local @!p0 [hbm:s0], s1  }
0x46: {  	s0 =	simm.s32 @!p0 $0x3  }
0x47: {  	_ =	swait.ge @!p0 [sflag:s0], s1  }
0x48: {  	s1 =	ssub.s32 @!p0 $0x0, s1;
	[sflag:s0] =	ssyncset.done @!p0 $0x0  }
0x49: {  	[sflag:s0] =	ssyncadd.s32 @!p0 s1  }
0x4a: {  	[bflag:$0x3] =	sbarrier.arrive $0xFFFF  }
0x4b: {  	_ =	shalt  }

// kernel: kernel.13.cloned.1.call-start
scs
__scs_entry_jumppad:
0x0: {  	(pc) =	sbr.rel $0x88, $3  }
0x1: {  	(tag) =	ssettag $0x0;
	lr =	simm.s32 $0x1  }
0x2: {  	[smem:$0x3F96] =	sst lr;
	_ =	strace $0xD0000000  }
0x3: {  	_ = 	snop  }
0x4: {  	_ = 	snop  }
0x5: {  	_ = 	snop  }
0x6: {  	_ = 	snop  }
0x7: {  	_ = 	snop  }
__scs_overlays_trampoline_lowered:
0x8: {  	[smem:$0x3FA5] =	sst s0  }
0x9: {  	[smem:$0x3FA6] =	sst s1  }
0xa: {  	[smem:$0x3FA7] =	sst s2  }
0xb: {  	[smem:$0x3FA8] =	sst s3  }
0xc: {  	[smem:$0x3FA9] =	sst s4  }
0xd: {  	[smem:$0x3FAA] =	sst s5  }
0xe: {  	[smem:$0x3FAB] =	sst s6  }
0xf: {  	[smem:$0x3FAC] =	sst s7  }
0x10: {  	[smem:$0x3FAD] =	sst s8  }
0x11: {  	[smem:$0x3FAE] =	sst s9;
	s0 =	simm.s32 @!p0 $0x0  }
0x12: {  	s1 =	sld [smem:$0x3F94];
	s0 =	simm.s32 @p0 $0x1  }
0x13: {  	[smem:$0x3FAF] =	sst s0;
	s0 =	simm.s32 @!p1 $0x0  }
0x14: {  	s2 =	sld [smem:$0x3F93];
	s0 =	simm.s32 @p1 $0x1  }
0x15: {  	[smem:$0x3FB0] =	sst s0;
	s0 =	simm.s32 @!p2 $0x0  }
0x16: {  	s3 =	sld [smem:$0x3FDB];
	s0 =	simm.s32 @p2 $0x1  }
0x17: {  	s4 =	simm.s32 $0x1BF5;
	[smem:$0x3FB2] =	sst s0  }
0x18: {  	s0 =	sld [smem:$0x3F95];
	_ =	swait.ge [sflag:s4], $0x0  }
0x19: {  	s7 =	sld [smem:$0x3F96]  }
0x1a: {  	s8 =	sadd.s32 $0xFFFFE003, lr  }
0x1b: {  	s9 =	sadd.s32 $0xFFFFFEF7, lr;
	s5 =	simm.s32 $0xFFFFFFFF;
	p2 =	slt.u32 s8, $0xFFFFF086  }
0x1c: {  	p1 =	slt.u32 s9, $0xF7A;
	s5 =	simm.s32 @!p2 $0x0  }
0x1d: {  	s5 =	simm.s32 @p1 $0x1;
	p0 =	seq.s32 s7, s2  }
0x1e: {  	s7 =	smul.u32 @!p0 $0xF7A, s2;
	p2 =	seq.s32 @!p0 s5, $0x0  }
0x1f: {  	s9 =	smul.u32 $0xF7A, s1;
	s8 =	simm.s32 @!p0 $0x1BF5;
	p2 =	por !p2, p0  }
0x20: {  	[sflag:s8] =	ssyncset.s32 @!p0 $0xFFFFF086;
	s6 =	sadd.s32 @!p0 s3, s7;
	s7 =	simm.s32 @!p0 $0x108  }
0x21: {  	s3 =	sadd.s32 s3, s9;
	s6 =	sadd.s32 @!p0 $0x88, s6;
	s7 =	simm.s32 @p2 $0x1082  }
0x22: {  	[simem:s7], [sflag:s8] =	dma.local @!p0 [hbm:s6], $0xF7A  }
0x23: {  	s9 =	sor.u32 $0xD0000000, s2;
	s6 =	simm.s32 $0x108;
	_ =	swait.ge @!p0 [sflag:s8], $0x0  }
0x24: {  	s3 =	sadd.s32 $0x88, s3;
	s6 =	simm.s32 @!p1 $0x1082;
	[sflag:s4] =	ssyncset.s32 $0xFFFFF086  }
0x25: {  	[simem:s6], [sflag:s4] =	dma.local [hbm:s3], $0xF7A  }
0x26: {  	[smem:$0x3F96] =	sst s1;
	(tag) =	ssettag s2;
	_ =	strace s9  }
0x27: {  	s1 =	sld [smem:$0x3FA6]  }
0x28: {  	s2 =	sld [smem:$0x3FA7]  }
0x29: {  	s4 =	sld [smem:$0x3FA9]  }
0x2a: {  	p0 =	seq.s32 s5, $0x0;
	s5 =	sld [smem:$0x3FAA]  }
0x2b: {  	s6 =	sld [smem:$0x3FAB]  }
0x2c: {  	s7 =	sld [smem:$0x3FAC]  }
0x2d: {  	s3 =	simm.s32 $0x108;
	s8 =	sld [smem:$0x3FAD]  }
0x2e: {  	s3 =	simm.s32 @!p0 $0x1082;
	s9 =	sld [smem:$0x3FAE]  }
0x2f: {  	lr =	sadd.s32 s0, s3;
	s0 =	sld [smem:$0x3FA5]  }
0x30: {  	s3 =	sld [smem:$0x3FA8]  }
0x31: {  	[smem:$0x3FB1] =	sst s10  }
0x32: {  	s10 =	sld [smem:$0x3FAF];
	_ =	sdelay $0x3  }
0x33: {  	p0 =	seq.s32 s10, $0x1;
	s10 =	sld [smem:$0x3FB1];
	_ =	sdelay $0x3  }
0x34: {  	[smem:$0x3FB1] =	sst s10  }
0x35: {  	s10 =	sld [smem:$0x3FB0];
	_ =	sdelay $0x3  }
0x36: {  	p1 =	seq.s32 s10, $0x1;
	s10 =	sld [smem:$0x3FB1];
	_ =	sdelay $0x3  }
0x37: {  	[smem:$0x3FB1] =	sst s10  }
0x38: {  	s10 =	sld [smem:$0x3FB2]  }
0x39: {  	_ = 	snop;
	(pc) =	sbr.ind lr, $3  }
0x3a: {  	_ = 	snop  }
0x3b: {  	_ = 	snop  }
0x3c: {  	p2 =	seq.s32 s10, $0x1;
	s10 =	sld [smem:$0x3FB1]  }
0x3d: {  	_ =	shalt  }
0x3e: {  	_ =	shalt  }
0x3f: {  	_ =	shalt  }
0x40: {  	_ =	shalt  }
0x41: {  	_ =	shalt  }
0x42: {  	_ =	shalt  }
0x43: {  	_ =	shalt  }
0x44: {  	_ =	shalt  }
0x45: {  	_ =	shalt  }
0x46: {  	_ =	shalt  }
0x47: {  	_ =	shalt  }
0x48: {  	_ =	shalt  }
0x49: {  	_ =	shalt  }
0x4a: {  	_ =	shalt  }
0x4b: {  	_ =	shalt  }
0x4c: {  	_ =	shalt  }
0x4d: {  	_ =	shalt  }
0x4e: {  	_ =	shalt  }
0x4f: {  	_ =	shalt  }
0x50: {  	_ =	shalt  }
0x51: {  	_ =	shalt  }
0x52: {  	_ =	shalt  }
0x53: {  	_ =	shalt  }
0x54: {  	_ =	shalt  }
0x55: {  	_ =	shalt  }
0x56: {  	_ =	shalt  }
0x57: {  	_ =	shalt  }
0x58: {  	_ =	shalt  }
0x59: {  	_ =	shalt  }
0x5a: {  	_ =	shalt  }
0x5b: {  	_ =	shalt  }
0x5c: {  	_ =	shalt  }
0x5d: {  	_ =	shalt  }
0x5e: {  	_ =	shalt  }
0x5f: {  	_ =	shalt  }
0x60: {  	_ =	shalt  }
0x61: {  	_ =	shalt  }
0x62: {  	_ =	shalt  }
0x63: {  	_ =	shalt  }
0x64: {  	_ =	shalt  }
0x65: {  	_ =	shalt  }
0x66: {  	_ =	shalt  }
0x67: {  	_ =	shalt  }
0x68: {  	_ =	shalt  }
0x69: {  	_ =	shalt  }
0x6a: {  	_ =	shalt  }
0x6b: {  	_ =	shalt  }
0x6c: {  	_ =	shalt  }
0x6d: {  	_ =	shalt  }
0x6e: {  	_ =	shalt  }
0x6f: {  	_ =	shalt  }
0x70: {  	_ =	shalt  }
0x71: {  	_ =	shalt  }
0x72: {  	_ =	shalt  }
0x73: {  	_ =	shalt  }
0x74: {  	_ =	shalt  }
0x75: {  	_ =	shalt  }
0x76: {  	_ =	shalt  }
0x77: {  	_ =	shalt  }
0x78: {  	_ =	shalt  }
0x79: {  	_ =	shalt  }
0x7a: {  	_ =	shalt  }
0x7b: {  	_ =	shalt  }
0x7c: {  	_ =	shalt  }
0x7d: {  	_ =	shalt  }
0x7e: {  	_ =	shalt  }
0x7f: {  	_ =	shalt  }
0x80: {  	_ =	shalt  }
0x81: {  	_ =	shalt  }
0x82: {  	_ =	shalt  }
0x83: {  	_ =	shalt  }
0x84: {  	_ =	shalt  }
0x85: {  	_ =	shalt  }
0x86: {  	_ =	shalt  }
0x87: {  	_ =	shalt  }
.Lfunc_end0:
.L_simem_size_0:
called_computation.1_lowered:
.L_overlay_start_0:
0x88: {  	s2 =	sld [smem:$0x3FD9]  }
0x89: {  	s3 =	sld [smem:$0x3FFE];
	_ =	sdelay $0x1  }
0x8a: {  	s1 =	srdreg.scid  }
0x8b: {  	s0 =	sand.u32 $0x1, s1  }
0x8c: {  	s16 =	sshll.u32 s0, $0xA;
	s2 =	sadd.s32 s3, s2  }
0x8d: {  	s2 =	sadd.s32 s2, s16  }
0x8e: {  	[smem:$0x3FBD] =	sst s2  }
0x8f: {  	_ = 	snop  }
0x90: {  	(tm) =	ssettm $0x1  }
0x91: {  	s17 =	sld [smem:$0x3FFB];
	_ =	sdelay $0x3  }
0x92: {  	_ =	strace s17  }
0x93: {  	s2 =	sld [smem:$0x3FFC];
	_ =	sdelay $0x3  }
0x94: {  	_ =	strace s2  }
0x95: {  	s2 =	sld [smem:$0x3FFD];
	_ =	sdelay $0x3  }
0x96: {  	_ =	strace s2  }
0x97: {  	_ =	strace $0x8FFFFFFF  }
0x98: {  	s18 =	sld [smem:$0x3FDB];
	_ =	sdelay $0x1  }
0x99: {  	s19 =	simm.s32 $_scs_section_size  }
0x9a: {  	s4 =	simm.s32 $_size__tile_overlayer_lowered;
	s5 =	simm.s32 $_tile_overlayer_lowered  }
0x9b: {  	s22 =	simm.s32 $0x1BFF;
	s21 =	sshll.u32 s5, $0x1;
	s2 =	sadd.s32 s19, s18  }
0x9c: {  	s6 =	simm.s32 $0x0;
	s20 =	sshll.u32 s4, $0x1;
	s4 =	sadd.s32 s21, s2  }
0x9d: {  	[timem:s6], [sflag:s22] =	dma.local [hbm:s4], s20  }
0x9e: {  	_ =	swait.ge [sflag:s22], s20  }
0x9f: {  	s3 =	ssub.s32 $0x0, s20;
	[sflag:s22] =	ssyncset.done $0x0  }
0xa0: {  	[sflag:s22] =	ssyncadd.s32 s3;
	_ =	sdelay $0x1  }
0xa1: {  	s23 =	simm.s32 $0x1B8B  }
0xa2: {  	_ =	swait.ge [sflag:s23], $0x1  }
0xa3: {  	[sflag:s23] =	ssyncset.done $0x0  }
0xa4: {  	s25 =	simm.s32 $0x1B8E;
	s24 =	sld [smem:$0x3FFE];
	[sflag:s23] =	ssyncadd.s32 $0xFFFFFFFF  }
0xa5: {  	s26 =	simm.s32 $execute0_lowered;
	[smem:$0x3FD2] =	sst s25  }
0xa6: {  	s4 =	sshll.u32 s26, $0x1;
	_ =	strace $0x80000049;
	[dreg:$0x1] =	wrdreg $0xFFFFFFFF  }
0xa7: {  	s28 =	simm.s32 $_size_execute0_lowered;
	s2 =	sadd.s32 s2, s4;
	[dreg:$0x0] =	wrdreg $0x0  }
0xa8: {  	s4 =	sshll.u32 s28, $0x1;
	[dreg:$0x2] =	wrdreg s2  }
0xa9: {  	[dreg:$0x3] =	wrdreg s4  }
0xaa: {  	[dreg:$0x4] =	wrdreg $0xC0  }
0xab: {  	_ =	task [dreg:s6], $0x5FFFF  }
0xac: {  	[dreg:$0x1] =	wrdreg $0xFFFFFFFF  }
0xad: {  	[dreg:$0x0] =	wrdreg $0x60  }
0xae: {  	[dreg:$0x2] =	wrdreg s24  }
0xaf: {  	[dreg:$0x3] =	wrdreg $0xA9000  }
0xb0: {  	[dreg:$0x4] =	wrdreg $0x9  }
0xb1: {  	_ =	task.clear_ibuf [dreg:s6], $0x5FFFF;
	_ =	strace $0x90000049  }
0xb2: {  	s29 =	simm.s32 $0x9;
	_ =	strace $0x8000004B  }
0xb3: {  	_ =	swait.ge [sflag:s29], $0x1  }
0xb4: {  	[sflag:s29] =	ssyncadd.s32 $0xFFFFFFFF  }
0xb5: {  	_ =	strace $0x9000004B  }
0xb6: {  	_ =	sfence  }
0xb7: {  	s30 =	sld [smem:$0x0];
	_ =	sdelay $0x2  }
0xb8: {  	s31 =	sshll.u32 s1, $0xD;
	s1 =	sshrl.u32 s1, $0x2  }
0xb9: {  	s3 =	sand.u32 $0x4000, s31;
	s1 =	sadd.s32 s1, s30  }
0xba: {  	s0 =	sor.u32 s3, s0;
	s1 =	sshll.u32 s1, $0x11  }
0xbb: {  	s0 =	sor.u32 s1, s0  }
0xbc: {  	s0 =	sadd.s32 $0x8F2B, s0  }
0xbd: {  	[sflag:s0] =	ssyncadd.remote.s32 $0x1  }
0xbe: {  	_ =	sfence.sel $0xFFFF  }
0xbf: {  	[dreg:$0x0] =	wrdreg $0xFFFFFFFF;
	(pc) =	sbr.abs _section_cstart, $3  }
0xc0: {  	[dreg:$0x1] =	wrdreg $0xFFFFFFFF  }
0xc1: {  	_ =	task.clear_ibuf [dreg:s6], $0x2FFFF;
	_ =	strace $0x9FFFFFFF  }
0xc2: {  	(tm) =	ssettm $0x7FFFFFFF  }
0xc3: {  	_ =	shalt  }
tec
execute0_lowered:
.L_overlay_start_1:
0x0: {  	(tag) =	ssettag $0x1  }
0x1: {  	s9 =	rddreg [dreg:$0x0]  }
0x2: {  	s0 =	srdreg.scid;
	s2 =	rddreg [dreg:$0x1];
	s4 =	simm.s32 $0x0  }
0x3: {  	s14 =	simm.s32 $0x2800;
	s15 =	simm.s32 $0x2880;
	s16 =	simm.s32 $0x80  }
0x4: {  	s17 =	simm.s32 $0x2900;
	s18 =	simm.s32 $0x6900;
	s19 =	simm.s32 $0x1  }
0x5: {  	s20 =	simm.s32 $0x2;
	s21 =	simm.s32 $0x3;
	s22 =	simm.s32 $0x4  }
0x6: {  	s23 =	simm.s32 $0x5;
	s24 =	simm.s32 $0x6;
	s8 =	sand.u32 $0x1, s0  }
0x7: {  	s25 =	simm.s32 $0x0;
	s0 =	stileid.u32;
	s7 =	smul.u32 $0x140000, s8  }
0x8: {  	[smem:$0x7FF] =	sst s4;
	s5 =	sadd.s32 $0x6A800, s9;
	s10 =	smul.u32 $0x14000, s0  }
0x9: {  	s1 =	sshll.u32 s8, $0x4;
	_ =	strace $0x8000004A;
	s12 =	smul.u32 $0x50000, s0  }
0xa: {  	s8 =	ssub.s32 $0x2, s8;
	s31 =	sshll.u32 s0, $0x6;
	s1 =	sor.u32 s0, s1  }
0xb: {  	s30 =	sshrl.u32 s8, $0x1;
	s3 =	smul.u32 $0x2800, s1;
	s10 =	sadd.s32 s10, s7  }
0xc: {  	s7 =	sadd.s32 $0x17800, s9;
	s12 =	sshrl.u32 s12, $0x2;
	s13 =	ssub.s32 s8, s30  }
0xd: {  	s8 =	sor.u32 $0x1C07, s31;
	s10 =	sshrl.u32 s10, $0x3;
	s12 =	sadd.s32 s12, s2  }
0xe: {  	s6 =	sshrl.u32 s3, $0x3;
	s10 =	sadd.s32 s10, s9;
	s12 =	sshrl.u32 s12, $0x3  }
0xf: {  	s11 =	sadd.s32 s6, s9;
	s6 =	sadd.s32 $0x3800, s9;
	s10 =	sadd.s32 $0x91A00, s10  }
0x10: {  	s9 =	sadd.s32 $0xD800, s11;
	s11 =	smax.u32 s13, $0x1;
	s13 =	simm.s32 $0x7  }
.LBB2_1:
0x11: {  	[spmem:s12], [sflag:s8] =	dma.local [hbm:s7], $0x2800  }
0x12: {  	_ =	swait.ge [sflag:s13], $0x2800  }
0x13: {  	s26 =	simm.s32 $0x0;
	[sflag:s13] =	ssyncset.done $0x0  }
0x14: {  	s28 =	sand.u32 $0x3C00, s26;
	[sflag:s13] =	ssyncadd.s32 $0xFFFFD800  }
0x15: {  	[tilespmem:s4], [sflag:$0x7] =	stream.linear.gather [hbm4b:s9+s4], $0x2800, $0x38;
	[tilespmem:$0x1E900] =	vst v63  }
0x16: {  	s26 =	sand.u32 $0x300, s26;
	s28 =	sadd.s32 s3, s28;
	_ =	swait.ge [sflag:s13], $0x2800  }
0x17: {  	s29 =	sand.u32 $0x380, s16;
	s26 =	sor.u32 s26, s28;
	[sflag:s13] =	ssyncset.done $0x0  }
0x18: {  	s28 =	sor.u32 s28, s29;
	s26 =	sshrl.u32 s26, $0x3;
	[sflag:s13] =	ssyncadd.s32 $0xFFFFD800  }
0x19: {  	s28 =	sshrl.u32 s28, $0x3;
	s26 =	sadd.s32 s6, s26;
	[bflag:$0x0] =	sbarrier.arrive $0xFFFF  }
0x1a: {  	[tilespmem:s14], [sflag:$0x3] =	stream.linear.gather [hbm4b:s26+s4], $0x80, $0x38;
	[tilespmem:$0x1E900] =	vst v63  }
0x1b: {  	s1 =	sadd.s32 s6, s28  }
0x1c: {  	[tilespmem:s15], [sflag:$0x4] =	stream.linear.gather [hbm4b:s1+s4], $0x80, $0x38;
	[tilespmem:$0x1E900] =	vst v63  }
0x1d: {  	_ = 	snop  }
0x1e: {  	[tilespmem:s17], [sflag:$0x1] =	stream.indirect.gather [hbm4b:s5+s16], $0x80, s4, s16, $0xb8;
	[tilespmem:$0x1E900] =	vst v63  }
0x1f: {  	s28 =	simm.s32 $0x80  }
0x20: {  	[tilespmem:s18], [sflag:$0x2] =	stream.indirect.gather [hbm4b:s5+s16], $0x80, s28, s16, $0xb8;
	[tilespmem:$0x1E900] =	vst v63  }
0x21: {  	_ =	swait.ge [sflag:s19], $0x4000  }
0x22: {  	[sflag:s19] =	ssyncset.done $0x0  }
0x23: {  	[sflag:s19] =	ssyncadd.s32 $0xFFFFC000  }
0x24: {  	_ =	swait.ge [sflag:s20], $0x4000  }
0x25: {  	[sflag:s20] =	ssyncset.done $0x0  }
0x26: {  	[sflag:s20] =	ssyncadd.s32 $0xFFFFC000  }
0x27: {  	_ =	swait.ge [sflag:s21], $0x80  }
0x28: {  	[sflag:s21] =	ssyncset.done $0x0  }
0x29: {  	[sflag:s21] =	ssyncadd.s32 $0xFFFFFF80  }
0x2a: {  	_ =	swait.ge [sflag:s22], $0x80  }
0x2b: {  	[sflag:s22] =	ssyncset.done $0x0  }
0x2c: {  	s30 =	simm.s32 $0x100;
	[sflag:s22] =	ssyncadd.s32 $0xFFFFFF80  }
0x2d: {  	[spmem:s2] =	stream.indirect.scatter.add.f32 [tilespmem:s17], [sflag:$0x5], $0x80, s14, s16, $0xb8;
	[tilespmem:$0x1E900] =	vst v63  }
0x2e: {  	s31 =	sand.u32 $0x3C00, s30  }
0x2f: {  	[spmem:s2] =	stream.indirect.scatter.add.f32 [tilespmem:s18], [sflag:$0x6], $0x80, s15, s16, $0xb8;
	[tilespmem:$0x1E900] =	vst v63  }
0x30: {  	s30 =	sand.u32 $0x300, s30;
	s31 =	sadd.s32 s3, s31;
	_ =	swait.ge [sflag:s23], $0x4000  }
0x31: {  	s29 =	simm.s32 $0x280;
	s1 =	simm.s32 $0x180;
	[sflag:s23] =	ssyncset.done $0x0  }
0x32: {  	s30 =	sor.u32 s30, s31;
	s28 =	sand.u32 $0x380, s1;
	[sflag:s23] =	ssyncadd.s32 $0xFFFFC000  }
0x33: {  	s26 =	simm.s32 $0x100;
	s28 =	sor.u32 s31, s28;
	_ =	swait.ge [sflag:s24], $0x4000  }
0x34: {  	s31 =	sshrl.u32 s30, $0x3;
	s30 =	sshrl.u32 s28, $0x3;
	[sflag:s24] =	ssyncset.done $0x0  }
.LBB2_2:
0x35: {  	s31 =	sadd.s32 s6, s31  }
0x36: {  	[sflag:s24] =	ssyncadd.s32 $0xFFFFC000;
	s1 =	smov.u32 s29;
	s28 =	sadd.s32 $0x100, s29  }
0x37: {  	[tilespmem:s14], [sflag:$0x3] =	stream.linear.gather [hbm4b:s31+s4], $0x80, $0x38;
	[tilespmem:$0x1E900] =	vst v63  }
0x38: {  	p0 =	sne.s32 s29, $0x2780;
	s29 =	sadd.s32 s6, s30  }
0x39: {  	[tilespmem:s15], [sflag:$0x4] =	stream.linear.gather [hbm4b:s29+s4], $0x80, $0x38;
	[tilespmem:$0x1E900] =	vst v63  }
0x3a: {  	_ = 	snop  }
0x3b: {  	[tilespmem:s17], [sflag:$0x1] =	stream.indirect.gather [hbm4b:s5+s16], $0x80, s26, s16, $0xb8;
	[tilespmem:$0x1E900] =	vst v63  }
0x3c: {  	s29 =	sadd.s32 $0x80, s26  }
0x3d: {  	[tilespmem:s18], [sflag:$0x2] =	stream.indirect.gather [hbm4b:s5+s16], $0x80, s29, s16, $0xb8;
	[tilespmem:$0x1E900] =	vst v63  }
0x3e: {  	_ =	swait.ge [sflag:s19], $0x4000  }
0x3f: {  	[sflag:s19] =	ssyncset.done $0x0  }
0x40: {  	[sflag:s19] =	ssyncadd.s32 $0xFFFFC000  }
0x41: {  	_ =	swait.ge [sflag:s20], $0x4000  }
0x42: {  	[sflag:s20] =	ssyncset.done $0x0  }
0x43: {  	[sflag:s20] =	ssyncadd.s32 $0xFFFFC000  }
0x44: {  	_ =	swait.ge [sflag:s21], $0x80  }
0x45: {  	[sflag:s21] =	ssyncset.done $0x0  }
0x46: {  	[sflag:s21] =	ssyncadd.s32 $0xFFFFFF80  }
0x47: {  	_ =	swait.ge [sflag:s22], $0x80  }
0x48: {  	[sflag:s22] =	ssyncset.done $0x0  }
0x49: {  	[sflag:s22] =	ssyncadd.s32 $0xFFFFFF80  }
0x4a: {  	[spmem:s2] =	stream.indirect.scatter.add.f32 [tilespmem:s17], [sflag:$0x5], $0x80, s14, s16, $0xb8;
	[tilespmem:$0x1E900] =	vst v63  }
0x4b: {  	s26 =	sadd.s32 $0x100, s26;
	s29 =	sadd.s32 $0xFFFFFF80, s1;
	s1 =	sand.u32 $0x380, s1  }
0x4c: {  	[spmem:s2] =	stream.indirect.scatter.add.f32 [tilespmem:s18], [sflag:$0x6], $0x80, s15, s16, $0xb8;
	[tilespmem:$0x1E900] =	vst v63  }
.Ltmp0:
0x4d: {  	s30 =	sand.u32 $0x3C00, s29;
	_ =	swait.ge [sflag:s23], $0x4000;
	(pc) =	sbr.rel @p0 .LBB2_2-.Ltmp0, $4  }
0x4e: {  	s29 =	sand.u32 $0x300, s29;
	s30 =	sadd.s32 s3, s30;
	[sflag:s23] =	ssyncset.done $0x0  }
0x4f: {  	s29 =	sor.u32 s29, s30;
	[sflag:s23] =	ssyncadd.s32 $0xFFFFC000  }
0x50: {  	s1 =	sor.u32 s30, s1;
	s31 =	sshrl.u32 s29, $0x3;
	_ =	swait.ge [sflag:s24], $0x4000  }
0x51: {  	s30 =	sshrl.u32 s1, $0x3;
	s29 =	smov.u32 s28;
	[sflag:s24] =	ssyncset.done $0x0  }
0x52: {  	s1 =	sadd.s32 s6, s31;
	[sflag:s24] =	ssyncadd.s32 $0xFFFFC000  }
0x53: {  	[tilespmem:s14], [sflag:$0x3] =	stream.linear.gather [hbm4b:s1+s4], $0x80, $0x38;
	[tilespmem:$0x1E900] =	vst v63  }
0x54: {  	s30 =	sadd.s32 s6, s30  }
0x55: {  	[tilespmem:s15], [sflag:$0x4] =	stream.linear.gather [hbm4b:s30+s4], $0x80, $0x38;
	[tilespmem:$0x1E900] =	vst v63  }
0x56: {  	_ = 	snop  }
0x57: {  	[tilespmem:s17], [sflag:$0x1] =	stream.indirect.gather [hbm4b:s5+s16], $0x80, s26, s16, $0xb8;
	[tilespmem:$0x1E900] =	vst v63  }
0x58: {  	s31 =	sadd.s32 $0x80, s26  }
0x59: {  	[tilespmem:s18], [sflag:$0x2] =	stream.indirect.gather [hbm4b:s5+s16], $0x80, s31, s16, $0xb8;
	[tilespmem:$0x1E900] =	vst v63  }
0x5a: {  	_ =	swait.ge [sflag:s19], $0x4000  }
0x5b: {  	[sflag:s19] =	ssyncset.done $0x0  }
0x5c: {  	[sflag:s19] =	ssyncadd.s32 $0xFFFFC000  }
0x5d: {  	_ =	swait.ge [sflag:s20], $0x4000  }
0x5e: {  	[sflag:s20] =	ssyncset.done $0x0  }
0x5f: {  	[sflag:s20] =	ssyncadd.s32 $0xFFFFC000  }
0x60: {  	_ =	swait.ge [sflag:s21], $0x80  }
0x61: {  	[sflag:s21] =	ssyncset.done $0x0  }
0x62: {  	[sflag:s21] =	ssyncadd.s32 $0xFFFFFF80  }
0x63: {  	_ =	swait.ge [sflag:s22], $0x80  }
0x64: {  	[sflag:s22] =	ssyncset.done $0x0  }
0x65: {  	[sflag:s22] =	ssyncadd.s32 $0xFFFFFF80  }
0x66: {  	[spmem:s2] =	stream.indirect.scatter.add.f32 [tilespmem:s17], [sflag:$0x5], $0x80, s14, s16, $0xb8;
	[tilespmem:$0x1E900] =	vst v63  }
0x67: {  	_ = 	snop  }
0x68: {  	[spmem:s2] =	stream.indirect.scatter.add.f32 [tilespmem:s18], [sflag:$0x6], $0x80, s15, s16, $0xb8;
	[tilespmem:$0x1E900] =	vst v63  }
0x69: {  	_ =	swait.ge [sflag:s23], $0x4000  }
0x6a: {  	[sflag:s23] =	ssyncset.done $0x0  }
0x6b: {  	[sflag:s23] =	ssyncadd.s32 $0xFFFFC000  }
0x6c: {  	_ =	swait.ge [sflag:s24], $0x4000  }
0x6d: {  	s25 =	sadd.s32 $0x1, s25;
	[sflag:s24] =	ssyncset.done $0x0  }
0x6e: {  	p0 =	sne.s32 s25, s11;
	[sflag:s24] =	ssyncadd.s32 $0xFFFFC000  }
.Ltmp1:
0x6f: {  	[bflag:$0x0] =	sbarrier.arrive $0xFFFF;
	(pc) =	sbr.rel @p0 .LBB2_1-.Ltmp1, $4  }
0x70: {  	[hbm:s10], [sflag:s8] =	dma.local [spmem:s12], $0x2800  }
0x71: {  	_ =	swait.ge [sflag:s13], $0x2800  }
0x72: {  	[sflag:s13] =	ssyncset.done $0x0  }
0x73: {  	[sflag:s13] =	ssyncadd.s32 $0xFFFFD800  }
0x74: {  	_ =	sfence.sel $0x180000  }
0x75: {  	[bflag:$0x0] =	sbarrier.arrive $0xFFFF  }
0x76: {  	_ =	strace $0x9000004A  }
0x77: {  	[bflag:$0x2] =	sbarrier.arrive $0xFFFF  }
0x78: {  	p0 =	sne.s32 s0, $0x0;
	s0 =	rddreg [dreg:$0x2]  }
0x79: {  	s0 =	sadd.s32 @!p0 $0x100000, s0  }
0x7a: {  	[sflag:s0] =	ssyncadd.tile.s32 @!p0 $0x1;
	_ =	shalt  }
.Lfunc_end2:
_tile_overlayer_lowered:
.L_overlay_start_2:
0x7b: {  	(tag) =	ssettag $0x2  }
0x7c: {  	s0 =	rddreg [dreg:$0x0];
	s2 =	stileid.u32  }
0x7d: {  	s1 =	rddreg [dreg:$0x1];
	p0 =	sne.s32 s2, $0x0  }
0x7e: {  	s3 =	rddreg [dreg:$0x2];
	[bflag:$0x3] =	sbarrier.arrive $0xFFFF;
	s2 =	simm.s32 @!p0 $0x1C07  }
0x7f: {  	[timem:s3], [sflag:s2] =	dma.local @!p0 [hbm:s0], s1  }
0x80: {  	s0 =	simm.s32 @!p0 $0x7  }
0x81: {  	_ =	swait.ge @!p0 [sflag:s0], s1  }
0x82: {  	s1 =	ssub.s32 @!p0 $0x0, s1;
	[sflag:s0] =	ssyncset.done @!p0 $0x0  }
0x83: {  	[sflag:s0] =	ssyncadd.s32 @!p0 s1  }
0x84: {  	[bflag:$0x3] =	sbarrier.arrive $0xFFFF  }
0x85: {  	_ =	shalt  }

// kernel: kernel.16.cloned.1.call-start
scs
__scs_entry_jumppad:
0x0: {  	(pc) =	sbr.rel $0x88, $3  }
0x1: {  	(tag) =	ssettag $0x0;
	lr =	simm.s32 $0x1  }
0x2: {  	[smem:$0x3F96] =	sst lr;
	_ =	strace $0xD0000000  }
0x3: {  	_ = 	snop  }
0x4: {  	_ = 	snop  }
0x5: {  	_ = 	snop  }
0x6: {  	_ = 	snop  }
0x7: {  	_ = 	snop  }
__scs_overlays_trampoline_lowered:
0x8: {  	[smem:$0x3FA5] =	sst s0  }
0x9: {  	[smem:$0x3FA6] =	sst s1  }
0xa: {  	[smem:$0x3FA7] =	sst s2  }
0xb: {  	[smem:$0x3FA8] =	sst s3  }
0xc: {  	[smem:$0x3FA9] =	sst s4  }
0xd: {  	[smem:$0x3FAA] =	sst s5  }
0xe: {  	[smem:$0x3FAB] =	sst s6  }
0xf: {  	[smem:$0x3FAC] =	sst s7  }
0x10: {  	[smem:$0x3FAD] =	sst s8  }
0x11: {  	[smem:$0x3FAE] =	sst s9;
	s0 =	simm.s32 @!p0 $0x0  }
0x12: {  	s1 =	sld [smem:$0x3F94];
	s0 =	simm.s32 @p0 $0x1  }
0x13: {  	[smem:$0x3FAF] =	sst s0;
	s0 =	simm.s32 @!p1 $0x0  }
0x14: {  	s2 =	sld [smem:$0x3F93];
	s0 =	simm.s32 @p1 $0x1  }
0x15: {  	[smem:$0x3FB0] =	sst s0;
	s0 =	simm.s32 @!p2 $0x0  }
0x16: {  	s3 =	sld [smem:$0x3FDB];
	s0 =	simm.s32 @p2 $0x1  }
0x17: {  	s4 =	simm.s32 $0x1BF5;
	[smem:$0x3FB2] =	sst s0  }
0x18: {  	s0 =	sld [smem:$0x3F95];
	_ =	swait.ge [sflag:s4], $0x0  }
0x19: {  	s7 =	sld [smem:$0x3F96]  }
0x1a: {  	s8 =	sadd.s32 $0xFFFFE003, lr  }
0x1b: {  	s9 =	sadd.s32 $0xFFFFFEF7, lr;
	s5 =	simm.s32 $0xFFFFFFFF;
	p2 =	slt.u32 s8, $0xFFFFF086  }
0x1c: {  	p1 =	slt.u32 s9, $0xF7A;
	s5 =	simm.s32 @!p2 $0x0  }
0x1d: {  	s5 =	simm.s32 @p1 $0x1;
	p0 =	seq.s32 s7, s2  }
0x1e: {  	s7 =	smul.u32 @!p0 $0xF7A, s2;
	p2 =	seq.s32 @!p0 s5, $0x0  }
0x1f: {  	s9 =	smul.u32 $0xF7A, s1;
	s8 =	simm.s32 @!p0 $0x1BF5;
	p2 =	por !p2, p0  }
0x20: {  	[sflag:s8] =	ssyncset.s32 @!p0 $0xFFFFF086;
	s6 =	sadd.s32 @!p0 s3, s7;
	s7 =	simm.s32 @!p0 $0x108  }
0x21: {  	s3 =	sadd.s32 s3, s9;
	s6 =	sadd.s32 @!p0 $0x88, s6;
	s7 =	simm.s32 @p2 $0x1082  }
0x22: {  	[simem:s7], [sflag:s8] =	dma.local @!p0 [hbm:s6], $0xF7A  }
0x23: {  	s9 =	sor.u32 $0xD0000000, s2;
	s6 =	simm.s32 $0x108;
	_ =	swait.ge @!p0 [sflag:s8], $0x0  }
0x24: {  	s3 =	sadd.s32 $0x88, s3;
	s6 =	simm.s32 @!p1 $0x1082;
	[sflag:s4] =	ssyncset.s32 $0xFFFFF086  }
0x25: {  	[simem:s6], [sflag:s4] =	dma.local [hbm:s3], $0xF7A  }
0x26: {  	[smem:$0x3F96] =	sst s1;
	(tag) =	ssettag s2;
	_ =	strace s9  }
0x27: {  	s1 =	sld [smem:$0x3FA6]  }
0x28: {  	s2 =	sld [smem:$0x3FA7]  }
0x29: {  	s4 =	sld [smem:$0x3FA9]  }
0x2a: {  	p0 =	seq.s32 s5, $0x0;
	s5 =	sld [smem:$0x3FAA]  }
0x2b: {  	s6 =	sld [smem:$0x3FAB]  }
0x2c: {  	s7 =	sld [smem:$0x3FAC]  }
0x2d: {  	s3 =	simm.s32 $0x108;
	s8 =	sld [smem:$0x3FAD]  }
0x2e: {  	s3 =	simm.s32 @!p0 $0x1082;
	s9 =	sld [smem:$0x3FAE]  }
0x2f: {  	lr =	sadd.s32 s0, s3;
	s0 =	sld [smem:$0x3FA5]  }
0x30: {  	s3 =	sld [smem:$0x3FA8]  }
0x31: {  	[smem:$0x3FB1] =	sst s10  }
0x32: {  	s10 =	sld [smem:$0x3FAF];
	_ =	sdelay $0x3  }
0x33: {  	p0 =	seq.s32 s10, $0x1;
	s10 =	sld [smem:$0x3FB1];
	_ =	sdelay $0x3  }
0x34: {  	[smem:$0x3FB1] =	sst s10  }
0x35: {  	s10 =	sld [smem:$0x3FB0];
	_ =	sdelay $0x3  }
0x36: {  	p1 =	seq.s32 s10, $0x1;
	s10 =	sld [smem:$0x3FB1];
	_ =	sdelay $0x3  }
0x37: {  	[smem:$0x3FB1] =	sst s10  }
0x38: {  	s10 =	sld [smem:$0x3FB2]  }
0x39: {  	_ = 	snop;
	(pc) =	sbr.ind lr, $3  }
0x3a: {  	_ = 	snop  }
0x3b: {  	_ = 	snop  }
0x3c: {  	p2 =	seq.s32 s10, $0x1;
	s10 =	sld [smem:$0x3FB1]  }
0x3d: {  	_ =	shalt  }
0x3e: {  	_ =	shalt  }
0x3f: {  	_ =	shalt  }
0x40: {  	_ =	shalt  }
0x41: {  	_ =	shalt  }
0x42: {  	_ =	shalt  }
0x43: {  	_ =	shalt  }
0x44: {  	_ =	shalt  }
0x45: {  	_ =	shalt  }
0x46: {  	_ =	shalt  }
0x47: {  	_ =	shalt  }
0x48: {  	_ =	shalt  }
0x49: {  	_ =	shalt  }
0x4a: {  	_ =	shalt  }
0x4b: {  	_ =	shalt  }
0x4c: {  	_ =	shalt  }
0x4d: {  	_ =	shalt  }
0x4e: {  	_ =	shalt  }
0x4f: {  	_ =	shalt  }
0x50: {  	_ =	shalt  }
0x51: {  	_ =	shalt  }
0x52: {  	_ =	shalt  }
0x53: {  	_ =	shalt  }
0x54: {  	_ =	shalt  }
0x55: {  	_ =	shalt  }
0x56: {  	_ =	shalt  }
0x57: {  	_ =	shalt  }
0x58: {  	_ =	shalt  }
0x59: {  	_ =	shalt  }
0x5a: {  	_ =	shalt  }
0x5b: {  	_ =	shalt  }
0x5c: {  	_ =	shalt  }
0x5d: {  	_ =	shalt  }
0x5e: {  	_ =	shalt  }
0x5f: {  	_ =	shalt  }
0x60: {  	_ =	shalt  }
0x61: {  	_ =	shalt  }
0x62: {  	_ =	shalt  }
0x63: {  	_ =	shalt  }
0x64: {  	_ =	shalt  }
0x65: {  	_ =	shalt  }
0x66: {  	_ =	shalt  }
0x67: {  	_ =	shalt  }
0x68: {  	_ =	shalt  }
0x69: {  	_ =	shalt  }
0x6a: {  	_ =	shalt  }
0x6b: {  	_ =	shalt  }
0x6c: {  	_ =	shalt  }
0x6d: {  	_ =	shalt  }
0x6e: {  	_ =	shalt  }
0x6f: {  	_ =	shalt  }
0x70: {  	_ =	shalt  }
0x71: {  	_ =	shalt  }
0x72: {  	_ =	shalt  }
0x73: {  	_ =	shalt  }
0x74: {  	_ =	shalt  }
0x75: {  	_ =	shalt  }
0x76: {  	_ =	shalt  }
0x77: {  	_ =	shalt  }
0x78: {  	_ =	shalt  }
0x79: {  	_ =	shalt  }
0x7a: {  	_ =	shalt  }
0x7b: {  	_ =	shalt  }
0x7c: {  	_ =	shalt  }
0x7d: {  	_ =	shalt  }
0x7e: {  	_ =	shalt  }
0x7f: {  	_ =	shalt  }
0x80: {  	_ =	shalt  }
0x81: {  	_ =	shalt  }
0x82: {  	_ =	shalt  }
0x83: {  	_ =	shalt  }
0x84: {  	_ =	shalt  }
0x85: {  	_ =	shalt  }
0x86: {  	_ =	shalt  }
0x87: {  	_ =	shalt  }
.Lfunc_end0:
.L_simem_size_0:
called_computation.2_lowered:
.L_overlay_start_0:
0x88: {  	s2 =	sld [smem:$0x3FD9]  }
0x89: {  	s3 =	sld [smem:$0x3FFE];
	_ =	sdelay $0x1  }
0x8a: {  	s1 =	srdreg.scid  }
0x8b: {  	s0 =	sand.u32 $0x1, s1  }
0x8c: {  	s16 =	sshll.u32 s0, $0xA;
	s2 =	sadd.s32 s3, s2  }
0x8d: {  	s2 =	sadd.s32 s2, s16  }
0x8e: {  	[smem:$0x3FBD] =	sst s2  }
0x8f: {  	_ = 	snop  }
0x90: {  	(tm) =	ssettm $0x1  }
0x91: {  	s17 =	sld [smem:$0x3FFB];
	_ =	sdelay $0x3  }
0x92: {  	_ =	strace s17  }
0x93: {  	s2 =	sld [smem:$0x3FFC];
	_ =	sdelay $0x3  }
0x94: {  	_ =	strace s2  }
0x95: {  	s2 =	sld [smem:$0x3FFD];
	_ =	sdelay $0x3  }
0x96: {  	_ =	strace s2  }
0x97: {  	_ =	strace $0x8FFFFFFF  }
0x98: {  	s18 =	sld [smem:$0x3FDB];
	_ =	sdelay $0x1  }
0x99: {  	s19 =	simm.s32 $_scs_section_size  }
0x9a: {  	s4 =	simm.s32 $_size__tile_overlayer_lowered;
	s5 =	simm.s32 $_tile_overlayer_lowered  }
0x9b: {  	s22 =	simm.s32 $0x1BFF;
	s21 =	sshll.u32 s5, $0x1;
	s2 =	sadd.s32 s19, s18  }
0x9c: {  	s6 =	simm.s32 $0x0;
	s20 =	sshll.u32 s4, $0x1;
	s4 =	sadd.s32 s21, s2  }
0x9d: {  	[timem:s6], [sflag:s22] =	dma.local [hbm:s4], s20  }
0x9e: {  	_ =	swait.ge [sflag:s22], s20  }
0x9f: {  	s3 =	ssub.s32 $0x0, s20;
	[sflag:s22] =	ssyncset.done $0x0  }
0xa0: {  	[sflag:s22] =	ssyncadd.s32 s3;
	_ =	sdelay $0x1  }
0xa1: {  	s23 =	simm.s32 $0x1B8B  }
0xa2: {  	_ =	swait.ge [sflag:s23], $0x1  }
0xa3: {  	[sflag:s23] =	ssyncset.done $0x0  }
0xa4: {  	s25 =	simm.s32 $0x1B8E;
	s24 =	sld [smem:$0x3FFE];
	[sflag:s23] =	ssyncadd.s32 $0xFFFFFFFF  }
0xa5: {  	s26 =	simm.s32 $execute0_lowered;
	[smem:$0x3FD2] =	sst s25  }
0xa6: {  	s4 =	sshll.u32 s26, $0x1;
	_ =	strace $0x8000004C;
	[dreg:$0x1] =	wrdreg $0xFFFFFFFF  }
0xa7: {  	s28 =	simm.s32 $_size_execute0_lowered;
	s2 =	sadd.s32 s2, s4;
	[dreg:$0x0] =	wrdreg $0x0  }
0xa8: {  	s4 =	sshll.u32 s28, $0x1;
	[dreg:$0x2] =	wrdreg s2  }
0xa9: {  	[dreg:$0x3] =	wrdreg s4  }
0xaa: {  	[dreg:$0x4] =	wrdreg $0xC0  }
0xab: {  	_ =	task [dreg:s6], $0x5FFFF  }
0xac: {  	[dreg:$0x1] =	wrdreg $0xFFFFFFFF  }
0xad: {  	[dreg:$0x0] =	wrdreg $0x60  }
0xae: {  	[dreg:$0x2] =	wrdreg s24  }
0xaf: {  	[dreg:$0x3] =	wrdreg $0xA9000  }
0xb0: {  	[dreg:$0x4] =	wrdreg $0x9  }
0xb1: {  	_ =	task.clear_ibuf [dreg:s6], $0x5FFFF;
	_ =	strace $0x9000004C  }
0xb2: {  	s29 =	simm.s32 $0x9;
	_ =	strace $0x8000004E  }
0xb3: {  	_ =	swait.ge [sflag:s29], $0x1  }
0xb4: {  	[sflag:s29] =	ssyncadd.s32 $0xFFFFFFFF  }
0xb5: {  	_ =	strace $0x9000004E  }
0xb6: {  	_ =	sfence  }
0xb7: {  	s30 =	sld [smem:$0x0];
	_ =	sdelay $0x2  }
0xb8: {  	s31 =	sshll.u32 s1, $0xD;
	s1 =	sshrl.u32 s1, $0x2  }
0xb9: {  	s3 =	sand.u32 $0x4000, s31;
	s1 =	sadd.s32 s1, s30  }
0xba: {  	s0 =	sor.u32 s3, s0;
	s1 =	sshll.u32 s1, $0x11  }
0xbb: {  	s0 =	sor.u32 s1, s0  }
0xbc: {  	s0 =	sadd.s32 $0x8F2B, s0  }
0xbd: {  	[sflag:s0] =	ssyncadd.remote.s32 $0x1  }
0xbe: {  	_ =	sfence.sel $0xFFFF  }
0xbf: {  	[dreg:$0x0] =	wrdreg $0xFFFFFFFF;
	(pc) =	sbr.abs _section_cstart, $3  }
0xc0: {  	[dreg:$0x1] =	wrdreg $0xFFFFFFFF  }
0xc1: {  	_ =	task.clear_ibuf [dreg:s6], $0x2FFFF;
	_ =	strace $0x9FFFFFFF  }
0xc2: {  	(tm) =	ssettm $0x7FFFFFFF  }
0xc3: {  	_ =	shalt  }
tec
execute0_lowered:
.L_overlay_start_1:
0x0: {  	(tag) =	ssettag $0x1  }
0x1: {  	s9 =	rddreg [dreg:$0x0]  }
0x2: {  	s0 =	srdreg.scid;
	s2 =	rddreg [dreg:$0x1];
	s4 =	simm.s32 $0x0  }
0x3: {  	s14 =	simm.s32 $0x2800;
	s15 =	simm.s32 $0x2880;
	s16 =	simm.s32 $0x80  }
0x4: {  	s17 =	simm.s32 $0x2900;
	s18 =	simm.s32 $0x6900;
	s19 =	simm.s32 $0x1  }
0x5: {  	s20 =	simm.s32 $0x2;
	s21 =	simm.s32 $0x3;
	s22 =	simm.s32 $0x4  }
0x6: {  	s23 =	simm.s32 $0x5;
	s24 =	simm.s32 $0x6;
	s8 =	sand.u32 $0x1, s0  }
0x7: {  	s25 =	simm.s32 $0x0;
	s0 =	stileid.u32;
	s7 =	smul.u32 $0x140000, s8  }
0x8: {  	[smem:$0x7FF] =	sst s4;
	s5 =	sadd.s32 $0x6A800, s9;
	s10 =	smul.u32 $0x14000, s0  }
0x9: {  	s1 =	sshll.u32 s8, $0x4;
	_ =	strace $0x8000004D;
	s12 =	smul.u32 $0x50000, s0  }
0xa: {  	s8 =	ssub.s32 $0x2, s8;
	s31 =	sshll.u32 s0, $0x6;
	s1 =	sor.u32 s0, s1  }
0xb: {  	s30 =	sshrl.u32 s8, $0x1;
	s3 =	smul.u32 $0x2800, s1;
	s10 =	sadd.s32 s10, s7  }
0xc: {  	s7 =	sadd.s32 $0x17800, s9;
	s12 =	sshrl.u32 s12, $0x2;
	s13 =	ssub.s32 s8, s30  }
0xd: {  	s8 =	sor.u32 $0x1C07, s31;
	s10 =	sshrl.u32 s10, $0x3;
	s12 =	sadd.s32 s12, s2  }
0xe: {  	s6 =	sshrl.u32 s3, $0x3;
	s10 =	sadd.s32 s10, s9;
	s12 =	sshrl.u32 s12, $0x3  }
0xf: {  	s11 =	sadd.s32 s6, s9;
	s6 =	sadd.s32 $0x3800, s9;
	s10 =	sadd.s32 $0x91A00, s10  }
0x10: {  	s9 =	sadd.s32 $0xD800, s11;
	s11 =	smax.u32 s13, $0x1;
	s13 =	simm.s32 $0x7  }
.LBB2_1:
0x11: {  	[spmem:s12], [sflag:s8] =	dma.local [hbm:s7], $0x2800  }
0x12: {  	_ =	swait.ge [sflag:s13], $0x2800  }
0x13: {  	s26 =	simm.s32 $0x0;
	[sflag:s13] =	ssyncset.done $0x0  }
0x14: {  	s28 =	sand.u32 $0x3C00, s26;
	[sflag:s13] =	ssyncadd.s32 $0xFFFFD800  }
0x15: {  	[tilespmem:s4], [sflag:$0x7] =	stream.linear.gather [hbm4b:s9+s4], $0x2800, $0x38;
	[tilespmem:$0x1E900] =	vst v63  }
0x16: {  	s26 =	sand.u32 $0x300, s26;
	s28 =	sadd.s32 s3, s28;
	_ =	swait.ge [sflag:s13], $0x2800  }
0x17: {  	s29 =	sand.u32 $0x380, s16;
	s26 =	sor.u32 s26, s28;
	[sflag:s13] =	ssyncset.done $0x0  }
0x18: {  	s28 =	sor.u32 s28, s29;
	s26 =	sshrl.u32 s26, $0x3;
	[sflag:s13] =	ssyncadd.s32 $0xFFFFD800  }
0x19: {  	s28 =	sshrl.u32 s28, $0x3;
	s26 =	sadd.s32 s6, s26;
	[bflag:$0x0] =	sbarrier.arrive $0xFFFF  }
0x1a: {  	[tilespmem:s14], [sflag:$0x3] =	stream.linear.gather [hbm4b:s26+s4], $0x80, $0x38;
	[tilespmem:$0x1E900] =	vst v63  }
0x1b: {  	s1 =	sadd.s32 s6, s28  }
0x1c: {  	[tilespmem:s15], [sflag:$0x4] =	stream.linear.gather [hbm4b:s1+s4], $0x80, $0x38;
	[tilespmem:$0x1E900] =	vst v63  }
0x1d: {  	_ = 	snop  }
0x1e: {  	[tilespmem:s17], [sflag:$0x1] =	stream.indirect.gather [hbm4b:s5+s16], $0x80, s4, s16, $0xb8;
	[tilespmem:$0x1E900] =	vst v63  }
0x1f: {  	s28 =	simm.s32 $0x80  }
0x20: {  	[tilespmem:s18], [sflag:$0x2] =	stream.indirect.gather [hbm4b:s5+s16], $0x80, s28, s16, $0xb8;
	[tilespmem:$0x1E900] =	vst v63  }
0x21: {  	_ =	swait.ge [sflag:s19], $0x4000  }
0x22: {  	[sflag:s19] =	ssyncset.done $0x0  }
0x23: {  	[sflag:s19] =	ssyncadd.s32 $0xFFFFC000  }
0x24: {  	_ =	swait.ge [sflag:s20], $0x4000  }
0x25: {  	[sflag:s20] =	ssyncset.done $0x0  }
0x26: {  	[sflag:s20] =	ssyncadd.s32 $0xFFFFC000  }
0x27: {  	_ =	swait.ge [sflag:s21], $0x80  }
0x28: {  	[sflag:s21] =	ssyncset.done $0x0  }
0x29: {  	[sflag:s21] =	ssyncadd.s32 $0xFFFFFF80  }
0x2a: {  	_ =	swait.ge [sflag:s22], $0x80  }
0x2b: {  	[sflag:s22] =	ssyncset.done $0x0  }
0x2c: {  	s30 =	simm.s32 $0x100;
	[sflag:s22] =	ssyncadd.s32 $0xFFFFFF80  }
0x2d: {  	[spmem:s2] =	stream.indirect.scatter.add.f32 [tilespmem:s17], [sflag:$0x5], $0x80, s14, s16, $0xb8;
	[tilespmem:$0x1E900] =	vst v63  }
0x2e: {  	s31 =	sand.u32 $0x3C00, s30  }
0x2f: {  	[spmem:s2] =	stream.indirect.scatter.add.f32 [tilespmem:s18], [sflag:$0x6], $0x80, s15, s16, $0xb8;
	[tilespmem:$0x1E900] =	vst v63  }
0x30: {  	s30 =	sand.u32 $0x300, s30;
	s31 =	sadd.s32 s3, s31;
	_ =	swait.ge [sflag:s23], $0x4000  }
0x31: {  	s29 =	simm.s32 $0x280;
	s1 =	simm.s32 $0x180;
	[sflag:s23] =	ssyncset.done $0x0  }
0x32: {  	s30 =	sor.u32 s30, s31;
	s28 =	sand.u32 $0x380, s1;
	[sflag:s23] =	ssyncadd.s32 $0xFFFFC000  }
0x33: {  	s26 =	simm.s32 $0x100;
	s28 =	sor.u32 s31, s28;
	_ =	swait.ge [sflag:s24], $0x4000  }
0x34: {  	s31 =	sshrl.u32 s30, $0x3;
	s30 =	sshrl.u32 s28, $0x3;
	[sflag:s24] =	ssyncset.done $0x0  }
.LBB2_2:
0x35: {  	s31 =	sadd.s32 s6, s31  }
0x36: {  	[sflag:s24] =	ssyncadd.s32 $0xFFFFC000;
	s1 =	smov.u32 s29;
	s28 =	sadd.s32 $0x100, s29  }
0x37: {  	[tilespmem:s14], [sflag:$0x3] =	stream.linear.gather [hbm4b:s31+s4], $0x80, $0x38;
	[tilespmem:$0x1E900] =	vst v63  }
0x38: {  	p0 =	sne.s32 s29, $0x2780;
	s29 =	sadd.s32 s6, s30  }
0x39: {  	[tilespmem:s15], [sflag:$0x4] =	stream.linear.gather [hbm4b:s29+s4], $0x80, $0x38;
	[tilespmem:$0x1E900] =	vst v63  }
0x3a: {  	_ = 	snop  }
0x3b: {  	[tilespmem:s17], [sflag:$0x1] =	stream.indirect.gather [hbm4b:s5+s16], $0x80, s26, s16, $0xb8;
	[tilespmem:$0x1E900] =	vst v63  }
0x3c: {  	s29 =	sadd.s32 $0x80, s26  }
0x3d: {  	[tilespmem:s18], [sflag:$0x2] =	stream.indirect.gather [hbm4b:s5+s16], $0x80, s29, s16, $0xb8;
	[tilespmem:$0x1E900] =	vst v63  }
0x3e: {  	_ =	swait.ge [sflag:s19], $0x4000  }
0x3f: {  	[sflag:s19] =	ssyncset.done $0x0  }
0x40: {  	[sflag:s19] =	ssyncadd.s32 $0xFFFFC000  }
0x41: {  	_ =	swait.ge [sflag:s20], $0x4000  }
0x42: {  	[sflag:s20] =	ssyncset.done $0x0  }
0x43: {  	[sflag:s20] =	ssyncadd.s32 $0xFFFFC000  }
0x44: {  	_ =	swait.ge [sflag:s21], $0x80  }
0x45: {  	[sflag:s21] =	ssyncset.done $0x0  }
0x46: {  	[sflag:s21] =	ssyncadd.s32 $0xFFFFFF80  }
0x47: {  	_ =	swait.ge [sflag:s22], $0x80  }
0x48: {  	[sflag:s22] =	ssyncset.done $0x0  }
0x49: {  	[sflag:s22] =	ssyncadd.s32 $0xFFFFFF80  }
0x4a: {  	[spmem:s2] =	stream.indirect.scatter.add.f32 [tilespmem:s17], [sflag:$0x5], $0x80, s14, s16, $0xb8;
	[tilespmem:$0x1E900] =	vst v63  }
0x4b: {  	s26 =	sadd.s32 $0x100, s26;
	s29 =	sadd.s32 $0xFFFFFF80, s1;
	s1 =	sand.u32 $0x380, s1  }
0x4c: {  	[spmem:s2] =	stream.indirect.scatter.add.f32 [tilespmem:s18], [sflag:$0x6], $0x80, s15, s16, $0xb8;
	[tilespmem:$0x1E900] =	vst v63  }
.Ltmp0:
0x4d: {  	s30 =	sand.u32 $0x3C00, s29;
	_ =	swait.ge [sflag:s23], $0x4000;
	(pc) =	sbr.rel @p0 .LBB2_2-.Ltmp0, $4  }
0x4e: {  	s29 =	sand.u32 $0x300, s29;
	s30 =	sadd.s32 s3, s30;
	[sflag:s23] =	ssyncset.done $0x0  }
0x4f: {  	s29 =	sor.u32 s29, s30;
	[sflag:s23] =	ssyncadd.s32 $0xFFFFC000  }
0x50: {  	s1 =	sor.u32 s30, s1;
	s31 =	sshrl.u32 s29, $0x3;
	_ =	swait.ge [sflag:s24], $0x4000  }
0x51: {  	s30 =	sshrl.u32 s1, $0x3;
	s29 =	smov.u32 s28;
	[sflag:s24] =	ssyncset.done $0x0  }
0x52: {  	s1 =	sadd.s32 s6, s31;
	[sflag:s24] =	ssyncadd.s32 $0xFFFFC000  }
0x53: {  	[tilespmem:s14], [sflag:$0x3] =	stream.linear.gather [hbm4b:s1+s4], $0x80, $0x38;
	[tilespmem:$0x1E900] =	vst v63  }
0x54: {  	s30 =	sadd.s32 s6, s30  }
0x55: {  	[tilespmem:s15], [sflag:$0x4] =	stream.linear.gather [hbm4b:s30+s4], $0x80, $0x38;
	[tilespmem:$0x1E900] =	vst v63  }
0x56: {  	_ = 	snop  }
0x57: {  	[tilespmem:s17], [sflag:$0x1] =	stream.indirect.gather [hbm4b:s5+s16], $0x80, s26, s16, $0xb8;
	[tilespmem:$0x1E900] =	vst v63  }
0x58: {  	s31 =	sadd.s32 $0x80, s26  }
0x59: {  	[tilespmem:s18], [sflag:$0x2] =	stream.indirect.gather [hbm4b:s5+s16], $0x80, s31, s16, $0xb8;
	[tilespmem:$0x1E900] =	vst v63  }
0x5a: {  	_ =	swait.ge [sflag:s19], $0x4000  }
0x5b: {  	[sflag:s19] =	ssyncset.done $0x0  }
0x5c: {  	[sflag:s19] =	ssyncadd.s32 $0xFFFFC000  }
0x5d: {  	_ =	swait.ge [sflag:s20], $0x4000  }
0x5e: {  	[sflag:s20] =	ssyncset.done $0x0  }
0x5f: {  	[sflag:s20] =	ssyncadd.s32 $0xFFFFC000  }
0x60: {  	_ =	swait.ge [sflag:s21], $0x80  }
0x61: {  	[sflag:s21] =	ssyncset.done $0x0  }
0x62: {  	[sflag:s21] =	ssyncadd.s32 $0xFFFFFF80  }
0x63: {  	_ =	swait.ge [sflag:s22], $0x80  }
0x64: {  	[sflag:s22] =	ssyncset.done $0x0  }
0x65: {  	[sflag:s22] =	ssyncadd.s32 $0xFFFFFF80  }
0x66: {  	[spmem:s2] =	stream.indirect.scatter.add.f32 [tilespmem:s17], [sflag:$0x5], $0x80, s14, s16, $0xb8;
	[tilespmem:$0x1E900] =	vst v63  }
0x67: {  	_ = 	snop  }
0x68: {  	[spmem:s2] =	stream.indirect.scatter.add.f32 [tilespmem:s18], [sflag:$0x6], $0x80, s15, s16, $0xb8;
	[tilespmem:$0x1E900] =	vst v63  }
0x69: {  	_ =	swait.ge [sflag:s23], $0x4000  }
0x6a: {  	[sflag:s23] =	ssyncset.done $0x0  }
0x6b: {  	[sflag:s23] =	ssyncadd.s32 $0xFFFFC000  }
0x6c: {  	_ =	swait.ge [sflag:s24], $0x4000  }
0x6d: {  	s25 =	sadd.s32 $0x1, s25;
	[sflag:s24] =	ssyncset.done $0x0  }
0x6e: {  	p0 =	sne.s32 s25, s11;
	[sflag:s24] =	ssyncadd.s32 $0xFFFFC000  }
.Ltmp1:
0x6f: {  	[bflag:$0x0] =	sbarrier.arrive $0xFFFF;
	(pc) =	sbr.rel @p0 .LBB2_1-.Ltmp1, $4  }
0x70: {  	[hbm:s10], [sflag:s8] =	dma.local [spmem:s12], $0x2800  }
0x71: {  	_ =	swait.ge [sflag:s13], $0x2800  }
0x72: {  	[sflag:s13] =	ssyncset.done $0x0  }
0x73: {  	[sflag:s13] =	ssyncadd.s32 $0xFFFFD800  }
0x74: {  	_ =	sfence.sel $0x180000  }
0x75: {  	[bflag:$0x0] =	sbarrier.arrive $0xFFFF  }
0x76: {  	_ =	strace $0x9000004D  }
0x77: {  	[bflag:$0x2] =	sbarrier.arrive $0xFFFF  }
0x78: {  	p0 =	sne.s32 s0, $0x0;
	s0 =	rddreg [dreg:$0x2]  }
0x79: {  	s0 =	sadd.s32 @!p0 $0x100000, s0  }
0x7a: {  	[sflag:s0] =	ssyncadd.tile.s32 @!p0 $0x1;
	_ =	shalt  }
.Lfunc_end2:
_tile_overlayer_lowered:
.L_overlay_start_2:
0x7b: {  	(tag) =	ssettag $0x2  }
0x7c: {  	s0 =	rddreg [dreg:$0x0];
	s2 =	stileid.u32  }
0x7d: {  	s1 =	rddreg [dreg:$0x1];
	p0 =	sne.s32 s2, $0x0  }
0x7e: {  	s3 =	rddreg [dreg:$0x2];
	[bflag:$0x3] =	sbarrier.arrive $0xFFFF;
	s2 =	simm.s32 @!p0 $0x1C07  }
0x7f: {  	[timem:s3], [sflag:s2] =	dma.local @!p0 [hbm:s0], s1  }
0x80: {  	s0 =	simm.s32 @!p0 $0x7  }
0x81: {  	_ =	swait.ge @!p0 [sflag:s0], s1  }
0x82: {  	s1 =	ssub.s32 @!p0 $0x0, s1;
	[sflag:s0] =	ssyncset.done @!p0 $0x0  }
0x83: {  	[sflag:s0] =	ssyncadd.s32 @!p0 s1  }
0x84: {  	[bflag:$0x3] =	sbarrier.arrive $0xFFFF  }
0x85: {  	_ =	shalt  }

// kernel: kernel.19.cloned.1.call-start
scs
__scs_entry_jumppad:
0x0: {  	(pc) =	sbr.rel $0x88, $3  }
0x1: {  	(tag) =	ssettag $0x0;
	lr =	simm.s32 $0x1  }
0x2: {  	[smem:$0x3F96] =	sst lr;
	_ =	strace $0xD0000000  }
0x3: {  	_ = 	snop  }
0x4: {  	_ = 	snop  }
0x5: {  	_ = 	snop  }
0x6: {  	_ = 	snop  }
0x7: {  	_ = 	snop  }
__scs_overlays_trampoline_lowered:
0x8: {  	[smem:$0x3FA5] =	sst s0  }
0x9: {  	[smem:$0x3FA6] =	sst s1  }
0xa: {  	[smem:$0x3FA7] =	sst s2  }
0xb: {  	[smem:$0x3FA8] =	sst s3  }
0xc: {  	[smem:$0x3FA9] =	sst s4  }
0xd: {  	[smem:$0x3FAA] =	sst s5  }
0xe: {  	[smem:$0x3FAB] =	sst s6  }
0xf: {  	[smem:$0x3FAC] =	sst s7  }
0x10: {  	[smem:$0x3FAD] =	sst s8  }
0x11: {  	[smem:$0x3FAE] =	sst s9;
	s0 =	simm.s32 @!p0 $0x0  }
0x12: {  	s1 =	sld [smem:$0x3F94];
	s0 =	simm.s32 @p0 $0x1  }
0x13: {  	[smem:$0x3FAF] =	sst s0;
	s0 =	simm.s32 @!p1 $0x0  }
0x14: {  	s2 =	sld [smem:$0x3F93];
	s0 =	simm.s32 @p1 $0x1  }
0x15: {  	[smem:$0x3FB0] =	sst s0;
	s0 =	simm.s32 @!p2 $0x0  }
0x16: {  	s3 =	sld [smem:$0x3FDB];
	s0 =	simm.s32 @p2 $0x1  }
0x17: {  	s4 =	simm.s32 $0x1BF5;
	[smem:$0x3FB2] =	sst s0  }
0x18: {  	s0 =	sld [smem:$0x3F95];
	_ =	swait.ge [sflag:s4], $0x0  }
0x19: {  	s7 =	sld [smem:$0x3F96]  }
0x1a: {  	s8 =	sadd.s32 $0xFFFFE003, lr  }
0x1b: {  	s9 =	sadd.s32 $0xFFFFFEF7, lr;
	s5 =	simm.s32 $0xFFFFFFFF;
	p2 =	slt.u32 s8, $0xFFFFF086  }
0x1c: {  	p1 =	slt.u32 s9, $0xF7A;
	s5 =	simm.s32 @!p2 $0x0  }
0x1d: {  	s5 =	simm.s32 @p1 $0x1;
	p0 =	seq.s32 s7, s2  }
0x1e: {  	s7 =	smul.u32 @!p0 $0xF7A, s2;
	p2 =	seq.s32 @!p0 s5, $0x0  }
0x1f: {  	s9 =	smul.u32 $0xF7A, s1;
	s8 =	simm.s32 @!p0 $0x1BF5;
	p2 =	por !p2, p0  }
0x20: {  	[sflag:s8] =	ssyncset.s32 @!p0 $0xFFFFF086;
	s6 =	sadd.s32 @!p0 s3, s7;
	s7 =	simm.s32 @!p0 $0x108  }
0x21: {  	s3 =	sadd.s32 s3, s9;
	s6 =	sadd.s32 @!p0 $0x88, s6;
	s7 =	simm.s32 @p2 $0x1082  }
0x22: {  	[simem:s7], [sflag:s8] =	dma.local @!p0 [hbm:s6], $0xF7A  }
0x23: {  	s9 =	sor.u32 $0xD0000000, s2;
	s6 =	simm.s32 $0x108;
	_ =	swait.ge @!p0 [sflag:s8], $0x0  }
0x24: {  	s3 =	sadd.s32 $0x88, s3;
	s6 =	simm.s32 @!p1 $0x1082;
	[sflag:s4] =	ssyncset.s32 $0xFFFFF086  }
0x25: {  	[simem:s6], [sflag:s4] =	dma.local [hbm:s3], $0xF7A  }
0x26: {  	[smem:$0x3F96] =	sst s1;
	(tag) =	ssettag s2;
	_ =	strace s9  }
0x27: {  	s1 =	sld [smem:$0x3FA6]  }
0x28: {  	s2 =	sld [smem:$0x3FA7]  }
0x29: {  	s4 =	sld [smem:$0x3FA9]  }
0x2a: {  	p0 =	seq.s32 s5, $0x0;
	s5 =	sld [smem:$0x3FAA]  }
0x2b: {  	s6 =	sld [smem:$0x3FAB]  }
0x2c: {  	s7 =	sld [smem:$0x3FAC]  }
0x2d: {  	s3 =	simm.s32 $0x108;
	s8 =	sld [smem:$0x3FAD]  }
0x2e: {  	s3 =	simm.s32 @!p0 $0x1082;
	s9 =	sld [smem:$0x3FAE]  }
0x2f: {  	lr =	sadd.s32 s0, s3;
	s0 =	sld [smem:$0x3FA5]  }
0x30: {  	s3 =	sld [smem:$0x3FA8]  }
0x31: {  	[smem:$0x3FB1] =	sst s10  }
0x32: {  	s10 =	sld [smem:$0x3FAF];
	_ =	sdelay $0x3  }
0x33: {  	p0 =	seq.s32 s10, $0x1;
	s10 =	sld [smem:$0x3FB1];
	_ =	sdelay $0x3  }
0x34: {  	[smem:$0x3FB1] =	sst s10  }
0x35: {  	s10 =	sld [smem:$0x3FB0];
	_ =	sdelay $0x3  }
0x36: {  	p1 =	seq.s32 s10, $0x1;
	s10 =	sld [smem:$0x3FB1];
	_ =	sdelay $0x3  }
0x37: {  	[smem:$0x3FB1] =	sst s10  }
0x38: {  	s10 =	sld [smem:$0x3FB2]  }
0x39: {  	_ = 	snop;
	(pc) =	sbr.ind lr, $3  }
0x3a: {  	_ = 	snop  }
0x3b: {  	_ = 	snop  }
0x3c: {  	p2 =	seq.s32 s10, $0x1;
	s10 =	sld [smem:$0x3FB1]  }
0x3d: {  	_ =	shalt  }
0x3e: {  	_ =	shalt  }
0x3f: {  	_ =	shalt  }
0x40: {  	_ =	shalt  }
0x41: {  	_ =	shalt  }
0x42: {  	_ =	shalt  }
0x43: {  	_ =	shalt  }
0x44: {  	_ =	shalt  }
0x45: {  	_ =	shalt  }
0x46: {  	_ =	shalt  }
0x47: {  	_ =	shalt  }
0x48: {  	_ =	shalt  }
0x49: {  	_ =	shalt  }
0x4a: {  	_ =	shalt  }
0x4b: {  	_ =	shalt  }
0x4c: {  	_ =	shalt  }
0x4d: {  	_ =	shalt  }
0x4e: {  	_ =	shalt  }
0x4f: {  	_ =	shalt  }
0x50: {  	_ =	shalt  }
0x51: {  	_ =	shalt  }
0x52: {  	_ =	shalt  }
0x53: {  	_ =	shalt  }
0x54: {  	_ =	shalt  }
0x55: {  	_ =	shalt  }
0x56: {  	_ =	shalt  }
0x57: {  	_ =	shalt  }
0x58: {  	_ =	shalt  }
0x59: {  	_ =	shalt  }
0x5a: {  	_ =	shalt  }
0x5b: {  	_ =	shalt  }
0x5c: {  	_ =	shalt  }
0x5d: {  	_ =	shalt  }
0x5e: {  	_ =	shalt  }
0x5f: {  	_ =	shalt  }
0x60: {  	_ =	shalt  }
0x61: {  	_ =	shalt  }
0x62: {  	_ =	shalt  }
0x63: {  	_ =	shalt  }
0x64: {  	_ =	shalt  }
0x65: {  	_ =	shalt  }
0x66: {  	_ =	shalt  }
0x67: {  	_ =	shalt  }
0x68: {  	_ =	shalt  }
0x69: {  	_ =	shalt  }
0x6a: {  	_ =	shalt  }
0x6b: {  	_ =	shalt  }
0x6c: {  	_ =	shalt  }
0x6d: {  	_ =	shalt  }
0x6e: {  	_ =	shalt  }
0x6f: {  	_ =	shalt  }
0x70: {  	_ =	shalt  }
0x71: {  	_ =	shalt  }
0x72: {  	_ =	shalt  }
0x73: {  	_ =	shalt  }
0x74: {  	_ =	shalt  }
0x75: {  	_ =	shalt  }
0x76: {  	_ =	shalt  }
0x77: {  	_ =	shalt  }
0x78: {  	_ =	shalt  }
0x79: {  	_ =	shalt  }
0x7a: {  	_ =	shalt  }
0x7b: {  	_ =	shalt  }
0x7c: {  	_ =	shalt  }
0x7d: {  	_ =	shalt  }
0x7e: {  	_ =	shalt  }
0x7f: {  	_ =	shalt  }
0x80: {  	_ =	shalt  }
0x81: {  	_ =	shalt  }
0x82: {  	_ =	shalt  }
0x83: {  	_ =	shalt  }
0x84: {  	_ =	shalt  }
0x85: {  	_ =	shalt  }
0x86: {  	_ =	shalt  }
0x87: {  	_ =	shalt  }
.Lfunc_end0:
.L_simem_size_0:
called_computation.3_lowered:
.L_overlay_start_0:
0x88: {  	s2 =	sld [smem:$0x3FD9]  }
0x89: {  	s3 =	sld [smem:$0x3FFE];
	_ =	sdelay $0x1  }
0x8a: {  	s1 =	srdreg.scid  }
0x8b: {  	s0 =	sand.u32 $0x1, s1  }
0x8c: {  	s16 =	sshll.u32 s0, $0xA;
	s2 =	sadd.s32 s3, s2  }
0x8d: {  	s2 =	sadd.s32 s2, s16  }
0x8e: {  	[smem:$0x3FBD] =	sst s2  }
0x8f: {  	_ = 	snop  }
0x90: {  	(tm) =	ssettm $0x1  }
0x91: {  	s17 =	sld [smem:$0x3FFB];
	_ =	sdelay $0x3  }
0x92: {  	_ =	strace s17  }
0x93: {  	s2 =	sld [smem:$0x3FFC];
	_ =	sdelay $0x3  }
0x94: {  	_ =	strace s2  }
0x95: {  	s2 =	sld [smem:$0x3FFD];
	_ =	sdelay $0x3  }
0x96: {  	_ =	strace s2  }
0x97: {  	_ =	strace $0x8FFFFFFF  }
0x98: {  	s18 =	sld [smem:$0x3FDB];
	_ =	sdelay $0x1  }
0x99: {  	s19 =	simm.s32 $_scs_section_size  }
0x9a: {  	s4 =	simm.s32 $_size__tile_overlayer_lowered;
	s5 =	simm.s32 $_tile_overlayer_lowered  }
0x9b: {  	s22 =	simm.s32 $0x1BFF;
	s21 =	sshll.u32 s5, $0x1;
	s2 =	sadd.s32 s19, s18  }
0x9c: {  	s6 =	simm.s32 $0x0;
	s20 =	sshll.u32 s4, $0x1;
	s4 =	sadd.s32 s21, s2  }
0x9d: {  	[timem:s6], [sflag:s22] =	dma.local [hbm:s4], s20  }
0x9e: {  	_ =	swait.ge [sflag:s22], s20  }
0x9f: {  	s3 =	ssub.s32 $0x0, s20;
	[sflag:s22] =	ssyncset.done $0x0  }
0xa0: {  	[sflag:s22] =	ssyncadd.s32 s3;
	_ =	sdelay $0x1  }
0xa1: {  	s23 =	simm.s32 $0x1B8B  }
0xa2: {  	_ =	swait.ge [sflag:s23], $0x1  }
0xa3: {  	[sflag:s23] =	ssyncset.done $0x0  }
0xa4: {  	s25 =	simm.s32 $0x1B8E;
	s24 =	sld [smem:$0x3FFE];
	[sflag:s23] =	ssyncadd.s32 $0xFFFFFFFF  }
0xa5: {  	s26 =	simm.s32 $execute0_lowered;
	[smem:$0x3FD2] =	sst s25  }
0xa6: {  	s4 =	sshll.u32 s26, $0x1;
	_ =	strace $0x8000004F;
	[dreg:$0x1] =	wrdreg $0xFFFFFFFF  }
0xa7: {  	s28 =	simm.s32 $_size_execute0_lowered;
	s2 =	sadd.s32 s2, s4;
	[dreg:$0x0] =	wrdreg $0x0  }
0xa8: {  	s4 =	sshll.u32 s28, $0x1;
	[dreg:$0x2] =	wrdreg s2  }
0xa9: {  	[dreg:$0x3] =	wrdreg s4  }
0xaa: {  	[dreg:$0x4] =	wrdreg $0xC0  }
0xab: {  	_ =	task [dreg:s6], $0x5FFFF  }
0xac: {  	[dreg:$0x1] =	wrdreg $0xFFFFFFFF  }
0xad: {  	[dreg:$0x0] =	wrdreg $0x60  }
0xae: {  	[dreg:$0x2] =	wrdreg s24  }
0xaf: {  	[dreg:$0x3] =	wrdreg $0xA9000  }
0xb0: {  	[dreg:$0x4] =	wrdreg $0x9  }
0xb1: {  	_ =	task.clear_ibuf [dreg:s6], $0x5FFFF;
	_ =	strace $0x9000004F  }
0xb2: {  	s29 =	simm.s32 $0x9;
	_ =	strace $0x80000051  }
0xb3: {  	_ =	swait.ge [sflag:s29], $0x1  }
0xb4: {  	[sflag:s29] =	ssyncadd.s32 $0xFFFFFFFF  }
0xb5: {  	_ =	strace $0x90000051  }
0xb6: {  	_ =	sfence  }
0xb7: {  	s30 =	sld [smem:$0x0];
	_ =	sdelay $0x2  }
0xb8: {  	s31 =	sshll.u32 s1, $0xD;
	s1 =	sshrl.u32 s1, $0x2  }
0xb9: {  	s3 =	sand.u32 $0x4000, s31;
	s1 =	sadd.s32 s1, s30  }
0xba: {  	s0 =	sor.u32 s3, s0;
	s1 =	sshll.u32 s1, $0x11  }
0xbb: {  	s0 =	sor.u32 s1, s0  }
0xbc: {  	s0 =	sadd.s32 $0x8F2B, s0  }
0xbd: {  	[sflag:s0] =	ssyncadd.remote.s32 $0x1  }
0xbe: {  	_ =	sfence.sel $0xFFFF  }
0xbf: {  	[dreg:$0x0] =	wrdreg $0xFFFFFFFF;
	(pc) =	sbr.abs _section_cstart, $3  }
0xc0: {  	[dreg:$0x1] =	wrdreg $0xFFFFFFFF  }
0xc1: {  	_ =	task.clear_ibuf [dreg:s6], $0x2FFFF;
	_ =	strace $0x9FFFFFFF  }
0xc2: {  	(tm) =	ssettm $0x7FFFFFFF  }
0xc3: {  	_ =	shalt  }
tec
execute0_lowered:
.L_overlay_start_1:
0x0: {  	(tag) =	ssettag $0x1  }
0x1: {  	s9 =	rddreg [dreg:$0x0]  }
0x2: {  	s0 =	srdreg.scid;
	s2 =	rddreg [dreg:$0x1];
	s4 =	simm.s32 $0x0  }
0x3: {  	s14 =	simm.s32 $0x2800;
	s15 =	simm.s32 $0x2880;
	s16 =	simm.s32 $0x80  }
0x4: {  	s17 =	simm.s32 $0x2900;
	s18 =	simm.s32 $0x6900;
	s19 =	simm.s32 $0x1  }
0x5: {  	s20 =	simm.s32 $0x2;
	s21 =	simm.s32 $0x3;
	s22 =	simm.s32 $0x4  }
0x6: {  	s23 =	simm.s32 $0x5;
	s24 =	simm.s32 $0x6;
	s8 =	sand.u32 $0x1, s0  }
0x7: {  	s25 =	simm.s32 $0x0;
	s0 =	stileid.u32;
	s7 =	smul.u32 $0x140000, s8  }
0x8: {  	[smem:$0x7FF] =	sst s4;
	s5 =	sadd.s32 $0x6A800, s9;
	s10 =	smul.u32 $0x14000, s0  }
0x9: {  	s1 =	sshll.u32 s8, $0x4;
	_ =	strace $0x80000050;
	s12 =	smul.u32 $0x50000, s0  }
0xa: {  	s8 =	ssub.s32 $0x2, s8;
	s31 =	sshll.u32 s0, $0x6;
	s1 =	sor.u32 s0, s1  }
0xb: {  	s30 =	sshrl.u32 s8, $0x1;
	s3 =	smul.u32 $0x2800, s1;
	s10 =	sadd.s32 s10, s7  }
0xc: {  	s7 =	sadd.s32 $0x17800, s9;
	s12 =	sshrl.u32 s12, $0x2;
	s13 =	ssub.s32 s8, s30  }
0xd: {  	s8 =	sor.u32 $0x1C07, s31;
	s10 =	sshrl.u32 s10, $0x3;
	s12 =	sadd.s32 s12, s2  }
0xe: {  	s6 =	sshrl.u32 s3, $0x3;
	s10 =	sadd.s32 s10, s9;
	s12 =	sshrl.u32 s12, $0x3  }
0xf: {  	s11 =	sadd.s32 s6, s9;
	s6 =	sadd.s32 $0x3800, s9;
	s10 =	sadd.s32 $0x91A00, s10  }
0x10: {  	s9 =	sadd.s32 $0xD800, s11;
	s11 =	smax.u32 s13, $0x1;
	s13 =	simm.s32 $0x7  }
.LBB2_1:
0x11: {  	[spmem:s12], [sflag:s8] =	dma.local [hbm:s7], $0x2800  }
0x12: {  	_ =	swait.ge [sflag:s13], $0x2800  }
0x13: {  	s26 =	simm.s32 $0x0;
	[sflag:s13] =	ssyncset.done $0x0  }
0x14: {  	s28 =	sand.u32 $0x3C00, s26;
	[sflag:s13] =	ssyncadd.s32 $0xFFFFD800  }
0x15: {  	[tilespmem:s4], [sflag:$0x7] =	stream.linear.gather [hbm4b:s9+s4], $0x2800, $0x38;
	[tilespmem:$0x1E900] =	vst v63  }
0x16: {  	s26 =	sand.u32 $0x300, s26;
	s28 =	sadd.s32 s3, s28;
	_ =	swait.ge [sflag:s13], $0x2800  }
0x17: {  	s29 =	sand.u32 $0x380, s16;
	s26 =	sor.u32 s26, s28;
	[sflag:s13] =	ssyncset.done $0x0  }
0x18: {  	s28 =	sor.u32 s28, s29;
	s26 =	sshrl.u32 s26, $0x3;
	[sflag:s13] =	ssyncadd.s32 $0xFFFFD800  }
0x19: {  	s28 =	sshrl.u32 s28, $0x3;
	s26 =	sadd.s32 s6, s26;
	[bflag:$0x0] =	sbarrier.arrive $0xFFFF  }
0x1a: {  	[tilespmem:s14], [sflag:$0x3] =	stream.linear.gather [hbm4b:s26+s4], $0x80, $0x38;
	[tilespmem:$0x1E900] =	vst v63  }
0x1b: {  	s1 =	sadd.s32 s6, s28  }
0x1c: {  	[tilespmem:s15], [sflag:$0x4] =	stream.linear.gather [hbm4b:s1+s4], $0x80, $0x38;
	[tilespmem:$0x1E900] =	vst v63  }
0x1d: {  	_ = 	snop  }
0x1e: {  	[tilespmem:s17], [sflag:$0x1] =	stream.indirect.gather [hbm4b:s5+s16], $0x80, s4, s16, $0xb8;
	[tilespmem:$0x1E900] =	vst v63  }
0x1f: {  	s28 =	simm.s32 $0x80  }
0x20: {  	[tilespmem:s18], [sflag:$0x2] =	stream.indirect.gather [hbm4b:s5+s16], $0x80, s28, s16, $0xb8;
	[tilespmem:$0x1E900] =	vst v63  }
0x21: {  	_ =	swait.ge [sflag:s19], $0x4000  }
0x22: {  	[sflag:s19] =	ssyncset.done $0x0  }
0x23: {  	[sflag:s19] =	ssyncadd.s32 $0xFFFFC000  }
0x24: {  	_ =	swait.ge [sflag:s20], $0x4000  }
0x25: {  	[sflag:s20] =	ssyncset.done $0x0  }
0x26: {  	[sflag:s20] =	ssyncadd.s32 $0xFFFFC000  }
0x27: {  	_ =	swait.ge [sflag:s21], $0x80  }
0x28: {  	[sflag:s21] =	ssyncset.done $0x0  }
0x29: {  	[sflag:s21] =	ssyncadd.s32 $0xFFFFFF80  }
0x2a: {  	_ =	swait.ge [sflag:s22], $0x80  }
0x2b: {  	[sflag:s22] =	ssyncset.done $0x0  }
0x2c: {  	s30 =	simm.s32 $0x100;
	[sflag:s22] =	ssyncadd.s32 $0xFFFFFF80  }
0x2d: {  	[spmem:s2] =	stream.indirect.scatter.add.f32 [tilespmem:s17], [sflag:$0x5], $0x80, s14, s16, $0xb8;
	[tilespmem:$0x1E900] =	vst v63  }
0x2e: {  	s31 =	sand.u32 $0x3C00, s30  }
0x2f: {  	[spmem:s2] =	stream.indirect.scatter.add.f32 [tilespmem:s18], [sflag:$0x6], $0x80, s15, s16, $0xb8;
	[tilespmem:$0x1E900] =	vst v63  }
0x30: {  	s30 =	sand.u32 $0x300, s30;
	s31 =	sadd.s32 s3, s31;
	_ =	swait.ge [sflag:s23], $0x4000  }
0x31: {  	s29 =	simm.s32 $0x280;
	s1 =	simm.s32 $0x180;
	[sflag:s23] =	ssyncset.done $0x0  }
0x32: {  	s30 =	sor.u32 s30, s31;
	s28 =	sand.u32 $0x380, s1;
	[sflag:s23] =	ssyncadd.s32 $0xFFFFC000  }
0x33: {  	s26 =	simm.s32 $0x100;
	s28 =	sor.u32 s31, s28;
	_ =	swait.ge [sflag:s24], $0x4000  }
0x34: {  	s31 =	sshrl.u32 s30, $0x3;
	s30 =	sshrl.u32 s28, $0x3;
	[sflag:s24] =	ssyncset.done $0x0  }
.LBB2_2:
0x35: {  	s31 =	sadd.s32 s6, s31  }
0x36: {  	[sflag:s24] =	ssyncadd.s32 $0xFFFFC000;
	s1 =	smov.u32 s29;
	s28 =	sadd.s32 $0x100, s29  }
0x37: {  	[tilespmem:s14], [sflag:$0x3] =	stream.linear.gather [hbm4b:s31+s4], $0x80, $0x38;
	[tilespmem:$0x1E900] =	vst v63  }
0x38: {  	p0 =	sne.s32 s29, $0x2780;
	s29 =	sadd.s32 s6, s30  }
0x39: {  	[tilespmem:s15], [sflag:$0x4] =	stream.linear.gather [hbm4b:s29+s4], $0x80, $0x38;
	[tilespmem:$0x1E900] =	vst v63  }
0x3a: {  	_ = 	snop  }
0x3b: {  	[tilespmem:s17], [sflag:$0x1] =	stream.indirect.gather [hbm4b:s5+s16], $0x80, s26, s16, $0xb8;
	[tilespmem:$0x1E900] =	vst v63  }
0x3c: {  	s29 =	sadd.s32 $0x80, s26  }
0x3d: {  	[tilespmem:s18], [sflag:$0x2] =	stream.indirect.gather [hbm4b:s5+s16], $0x80, s29, s16, $0xb8;
	[tilespmem:$0x1E900] =	vst v63  }
0x3e: {  	_ =	swait.ge [sflag:s19], $0x4000  }
0x3f: {  	[sflag:s19] =	ssyncset.done $0x0  }
0x40: {  	[sflag:s19] =	ssyncadd.s32 $0xFFFFC000  }
0x41: {  	_ =	swait.ge [sflag:s20], $0x4000  }
0x42: {  	[sflag:s20] =	ssyncset.done $0x0  }
0x43: {  	[sflag:s20] =	ssyncadd.s32 $0xFFFFC000  }
0x44: {  	_ =	swait.ge [sflag:s21], $0x80  }
0x45: {  	[sflag:s21] =	ssyncset.done $0x0  }
0x46: {  	[sflag:s21] =	ssyncadd.s32 $0xFFFFFF80  }
0x47: {  	_ =	swait.ge [sflag:s22], $0x80  }
0x48: {  	[sflag:s22] =	ssyncset.done $0x0  }
0x49: {  	[sflag:s22] =	ssyncadd.s32 $0xFFFFFF80  }
0x4a: {  	[spmem:s2] =	stream.indirect.scatter.add.f32 [tilespmem:s17], [sflag:$0x5], $0x80, s14, s16, $0xb8;
	[tilespmem:$0x1E900] =	vst v63  }
0x4b: {  	s26 =	sadd.s32 $0x100, s26;
	s29 =	sadd.s32 $0xFFFFFF80, s1;
	s1 =	sand.u32 $0x380, s1  }
0x4c: {  	[spmem:s2] =	stream.indirect.scatter.add.f32 [tilespmem:s18], [sflag:$0x6], $0x80, s15, s16, $0xb8;
	[tilespmem:$0x1E900] =	vst v63  }
.Ltmp0:
0x4d: {  	s30 =	sand.u32 $0x3C00, s29;
	_ =	swait.ge [sflag:s23], $0x4000;
	(pc) =	sbr.rel @p0 .LBB2_2-.Ltmp0, $4  }
0x4e: {  	s29 =	sand.u32 $0x300, s29;
	s30 =	sadd.s32 s3, s30;
	[sflag:s23] =	ssyncset.done $0x0  }
0x4f: {  	s29 =	sor.u32 s29, s30;
	[sflag:s23] =	ssyncadd.s32 $0xFFFFC000  }
0x50: {  	s1 =	sor.u32 s30, s1;
	s31 =	sshrl.u32 s29, $0x3;
	_ =	swait.ge [sflag:s24], $0x4000  }
0x51: {  	s30 =	sshrl.u32 s1, $0x3;
	s29 =	smov.u32 s28;
	[sflag:s24] =	ssyncset.done $0x0  }
0x52: {  	s1 =	sadd.s32 s6, s31;
	[sflag:s24] =	ssyncadd.s32 $0xFFFFC000  }
0x53: {  	[tilespmem:s14], [sflag:$0x3] =	stream.linear.gather [hbm4b:s1+s4], $0x80, $0x38;
	[tilespmem:$0x1E900] =	vst v63  }
0x54: {  	s30 =	sadd.s32 s6, s30  }
0x55: {  	[tilespmem:s15], [sflag:$0x4] =	stream.linear.gather [hbm4b:s30+s4], $0x80, $0x38;
	[tilespmem:$0x1E900] =	vst v63  }
0x56: {  	_ = 	snop  }
0x57: {  	[tilespmem:s17], [sflag:$0x1] =	stream.indirect.gather [hbm4b:s5+s16], $0x80, s26, s16, $0xb8;
	[tilespmem:$0x1E900] =	vst v63  }
0x58: {  	s31 =	sadd.s32 $0x80, s26  }
0x59: {  	[tilespmem:s18], [sflag:$0x2] =	stream.indirect.gather [hbm4b:s5+s16], $0x80, s31, s16, $0xb8;
	[tilespmem:$0x1E900] =	vst v63  }
0x5a: {  	_ =	swait.ge [sflag:s19], $0x4000  }
0x5b: {  	[sflag:s19] =	ssyncset.done $0x0  }
0x5c: {  	[sflag:s19] =	ssyncadd.s32 $0xFFFFC000  }
0x5d: {  	_ =	swait.ge [sflag:s20], $0x4000  }
0x5e: {  	[sflag:s20] =	ssyncset.done $0x0  }
0x5f: {  	[sflag:s20] =	ssyncadd.s32 $0xFFFFC000  }
0x60: {  	_ =	swait.ge [sflag:s21], $0x80  }
0x61: {  	[sflag:s21] =	ssyncset.done $0x0  }
0x62: {  	[sflag:s21] =	ssyncadd.s32 $0xFFFFFF80  }
0x63: {  	_ =	swait.ge [sflag:s22], $0x80  }
0x64: {  	[sflag:s22] =	ssyncset.done $0x0  }
0x65: {  	[sflag:s22] =	ssyncadd.s32 $0xFFFFFF80  }
0x66: {  	[spmem:s2] =	stream.indirect.scatter.add.f32 [tilespmem:s17], [sflag:$0x5], $0x80, s14, s16, $0xb8;
	[tilespmem:$0x1E900] =	vst v63  }
0x67: {  	_ = 	snop  }
0x68: {  	[spmem:s2] =	stream.indirect.scatter.add.f32 [tilespmem:s18], [sflag:$0x6], $0x80, s15, s16, $0xb8;
	[tilespmem:$0x1E900] =	vst v63  }
0x69: {  	_ =	swait.ge [sflag:s23], $0x4000  }
0x6a: {  	[sflag:s23] =	ssyncset.done $0x0  }
0x6b: {  	[sflag:s23] =	ssyncadd.s32 $0xFFFFC000  }
0x6c: {  	_ =	swait.ge [sflag:s24], $0x4000  }
0x6d: {  	s25 =	sadd.s32 $0x1, s25;
	[sflag:s24] =	ssyncset.done $0x0  }
0x6e: {  	p0 =	sne.s32 s25, s11;
	[sflag:s24] =	ssyncadd.s32 $0xFFFFC000  }
.Ltmp1:
0x6f: {  	[bflag:$0x0] =	sbarrier.arrive $0xFFFF;
	(pc) =	sbr.rel @p0 .LBB2_1-.Ltmp1, $4  }
0x70: {  	[hbm:s10], [sflag:s8] =	dma.local [spmem:s12], $0x2800  }
0x71: {  	_ =	swait.ge [sflag:s13], $0x2800  }
0x72: {  	[sflag:s13] =	ssyncset.done $0x0  }
0x73: {  	[sflag:s13] =	ssyncadd.s32 $0xFFFFD800  }
0x74: {  	_ =	sfence.sel $0x180000  }
0x75: {  	[bflag:$0x0] =	sbarrier.arrive $0xFFFF  }
0x76: {  	_ =	strace $0x90000050  }
0x77: {  	[bflag:$0x2] =	sbarrier.arrive $0xFFFF  }
0x78: {  	p0 =	sne.s32 s0, $0x0;
	s0 =	rddreg [dreg:$0x2]  }
0x79: {  	s0 =	sadd.s32 @!p0 $0x100000, s0  }
0x7a: {  	[sflag:s0] =	ssyncadd.tile.s32 @!p0 $0x1;
	_ =	shalt  }
.Lfunc_end2:
_tile_overlayer_lowered:
.L_overlay_start_2:
0x7b: {  	(tag) =	ssettag $0x2  }
0x7c: {  	s0 =	rddreg [dreg:$0x0];
	s2 =	stileid.u32  }
0x7d: {  	s1 =	rddreg [dreg:$0x1];
	p0 =	sne.s32 s2, $0x0  }
0x7e: {  	s3 =	rddreg [dreg:$0x2];
	[bflag:$0x3] =	sbarrier.arrive $0xFFFF;
	s2 =	simm.s32 @!p0 $0x1C07  }
0x7f: {  	[timem:s3], [sflag:s2] =	dma.local @!p0 [hbm:s0], s1  }
0x80: {  	s0 =	simm.s32 @!p0 $0x7  }
0x81: {  	_ =	swait.ge @!p0 [sflag:s0], s1  }
0x82: {  	s1 =	ssub.s32 @!p0 $0x0, s1;
	[sflag:s0] =	ssyncset.done @!p0 $0x0  }
0x83: {  	[sflag:s0] =	ssyncadd.s32 @!p0 s1  }
0x84: {  	[bflag:$0x3] =	sbarrier.arrive $0xFFFF  }
0x85: {  	_ =	shalt  }

</sc_bundles>
